<compile_context>
chip_gen: v7x
topology: tpu7x:2x2x1
jax: 0.10.2.dev20260603
libtpu: 0.0.44.dev20260713+nightly
codegen_flags: <defaults>
</compile_context>

<pallas_src>
import functools

import jax
import jax.numpy as jnp
from jax import lax
from jax.experimental import pallas as pl
from jax.experimental.pallas import tpu as pltpu
from jax.experimental.pallas import tpu_sc as plsc

CODEBOOK_SIZE = 8192
CODEBOOK_DIM = 256
N_TOKENS = 262144

NUM_CORES = 2
NUM_SUBCORES = 16
NUM_WORKERS = NUM_CORES * NUM_SUBCORES
B_PER_W = N_TOKENS // NUM_WORKERS
CHUNK = 64
NCHUNK = B_PER_W // CHUNK
NBUF = 3

_MESH = plsc.VectorSubcoreMesh(core_axis_name="c", subcore_axis_name="s")


@functools.partial(
    pl.kernel,
    mesh=_MESH,
    out_type=jax.ShapeDtypeStruct((N_TOKENS, 2, 128), jnp.float32),
    scratch_types=[
        pltpu.VMEM((NCHUNK, CHUNK), jnp.int32),
        pltpu.VMEM((NBUF, CHUNK, 2, 128), jnp.float32),
        pltpu.SemaphoreType.DMA,
        pltpu.SemaphoreType.DMA,
        pltpu.SemaphoreType.DMA,
        pltpu.SemaphoreType.DMA,
        pltpu.SemaphoreType.DMA,
        pltpu.SemaphoreType.DMA,
    ],
)
def _codebook_gather(weight_hbm, idx_hbm, out_hbm, idx_v, rows_v,
                     gsem0, gsem1, gsem2, ssem0, ssem1, ssem2):
    wid = lax.axis_index("s") * NUM_CORES + lax.axis_index("c")
    base = wid * B_PER_W
    gsems = [gsem0, gsem1, gsem2]
    ssems = [ssem0, ssem1, ssem2]

    pltpu.sync_copy(idx_hbm.at[wid], idx_v)

    def start_gather(g, buf):
        pltpu.make_async_copy(
            weight_hbm.at[idx_v.at[g]], rows_v.at[buf], gsems[buf]).start()

    def wait_gather(buf):
        pltpu.make_async_copy(
            weight_hbm.at[idx_v.at[0]], rows_v.at[buf], gsems[buf]).wait()

    def start_store(g, buf):
        pltpu.make_async_copy(
            rows_v.at[buf], out_hbm.at[pl.ds(base + g * CHUNK, CHUNK)],
            ssems[buf]).start()

    def wait_store(buf):
        pltpu.make_async_copy(
            rows_v.at[buf], out_hbm.at[pl.ds(base, CHUNK)], ssems[buf]).wait()

    start_gather(0, 0)
    start_gather(1, 1)
    start_gather(2, 2)
    wait_gather(0)
    start_store(0, 0)
    wait_store(0)
    start_gather(3, 0)
    wait_gather(1)
    start_store(1, 1)

    def steady(i, carry):
        for j in range(NBUF):
            g = 2 + NBUF * i + j
            cur = (2 + j) % NBUF
            prv = (1 + j) % NBUF
            wait_store(prv)
            start_gather(g + 2, prv)
            wait_gather(cur)
            start_store(g, cur)
        return carry

    lax.fori_loop(0, (NCHUNK - 5) // NBUF, steady, 0)

    g = NCHUNK - 3
    wait_store((g - 1) % NBUF)
    start_gather(NCHUNK - 1, (g - 1) % NBUF)
    wait_gather(g % NBUF)
    start_store(g, g % NBUF)
    for g in (NCHUNK - 2, NCHUNK - 1):
        wait_gather(g % NBUF)
        start_store(g, g % NBUF)
    for b in range(NBUF):
        wait_store(b)


def kernel(embed_id, weight):
    idx = embed_id.astype(jnp.int32).reshape(NUM_WORKERS, NCHUNK, CHUNK)
    w3 = weight.reshape(CODEBOOK_SIZE, 2, 128)
    return _codebook_gather(w3, idx).reshape(N_TOKENS, CODEBOOK_DIM)

# --- scband reference (transcript-rebuilt; emitter-appended) ---
"""Pipeline reference for scband-neural-codebook-9070970929189 (READ-ONLY COPY).

The authoritative reference and input builder live on the scoring server;
editing this copy changes nothing except your own understanding.
"""

import jax, jax.numpy as jnp
import numpy as np

CODEBOOK_SIZE = 8192
CODEBOOK_DIM = 256
N_TOKENS = 262144

def setup_inputs(seed: int = 0) -> dict:
    key = jax.random.key(seed)
    k_idx, k_w = jax.random.split(key)
    embed_id = jax.random.randint(k_idx, (N_TOKENS,), 0, CODEBOOK_SIZE, dtype=jnp.int64 if jax.config.jax_enable_x64 else jnp.int32)
    # Learned codebook parameter (module zero-inits when kmeans_init=True; use randn for a meaningful reference)
    weight = jax.random.normal(k_w, (CODEBOOK_SIZE, CODEBOOK_DIM), dtype=jnp.float32)
    return {"embed_id": embed_id, "weight": weight}

def reference(embed_id, weight):
    # Faithful translation of forward: F.embedding(embed_id, self.weight)
    return jnp.take(weight, embed_id, axis=0)

if __name__ == "__main__":
    import jax
    _d = setup_inputs()
    print(jax.jit(kernel)(*tuple(_d.values())))

</pallas_src>

<mosaic_0001>
#map = affine_map<(d0, d1) -> (0, 0, 0)>
module attributes {stable_mosaic.version = 14 : i64} {
  func.func @_codebook_gather(%arg0: i32, %arg1: i32, %arg2: memref<8192x2x128xf32, #tpu.memory_space<hbm>>, %arg3: memref<32x128x64xi32, #tpu.memory_space<hbm>>, %arg4: memref<262144x2x128xf32, #tpu.memory_space<hbm>>, %arg5: memref<128x64xi32, #tpu.memory_space<vmem>>, %arg6: memref<3x64x2x128xf32, #tpu.memory_space<vmem>>, %arg7: memref<!tpu.dma_semaphore, #tpu.memory_space<semaphore_mem>>, %arg8: memref<!tpu.dma_semaphore, #tpu.memory_space<semaphore_mem>>, %arg9: memref<!tpu.dma_semaphore, #tpu.memory_space<semaphore_mem>>, %arg10: memref<!tpu.dma_semaphore, #tpu.memory_space<semaphore_mem>>, %arg11: memref<!tpu.dma_semaphore, #tpu.memory_space<semaphore_mem>>, %arg12: memref<!tpu.dma_semaphore, #tpu.memory_space<semaphore_mem>>) attributes {dimension_semantics = [#tpu.dimension_semantics<core_parallel>, #tpu.dimension_semantics<subcore_parallel>], iteration_bounds = array<i64: 2, 16>, scalar_prefetch = 0 : i64, scratch_operands = 8 : i64, tpu.core_type = #tpu.core_type<sc_vector_subcore>, window_params = [{transform_indices = #map}, {transform_indices = #map}, {transform_indices = #map}]} {
    %mul3A = arith.constant 2 : i32
    %mul3A_0 = arith.muli %arg1, %mul3A : i32
    %add3A = arith.addi %mul3A_0, %arg0 : i32
    %mul3A_1 = arith.constant 8192 : i32
    %mul3A_2 = arith.muli %add3A, %mul3A_1 : i32
    "tpu.region"() ({
      %run_scoped3A = tpu.sem_alloc : memref<!tpu.dma_semaphore, #tpu.memory_space<semaphore_mem>>
      %dma_start3A_326 = arith.constant 0 : i32
      %dma_start3A_327 = arith.constant 0 : i32
      %dma_start3A_328 = tpu.memref_slice %arg3[%add3A, %dma_start3A_326, %dma_start3A_327] : memref<32x128x64xi32, #tpu.memory_space<hbm>> -> memref<1x128x64xi32, #tpu.memory_space<hbm>>
      %dma_start3A_329 = tpu.memref_squeeze %dma_start3A_328 : memref<1x128x64xi32, #tpu.memory_space<hbm>> -> memref<128x64xi32, #tpu.memory_space<hbm>>
      %dma_start3A_330 = arith.constant 0 : i32
      %dma_start3A_331 = arith.constant 0 : i32
      %dma_start3A_332 = tpu.memref_slice %arg3[%add3A, %dma_start3A_330, %dma_start3A_331] : memref<32x128x64xi32, #tpu.memory_space<hbm>> -> memref<1x128x64xi32, #tpu.memory_space<hbm>>
      %dma_start3A_333 = tpu.memref_squeeze %dma_start3A_332 : memref<1x128x64xi32, #tpu.memory_space<hbm>> -> memref<128x64xi32, #tpu.memory_space<hbm>>
      tpu.enqueue_dma source(%dma_start3A_333 : memref<128x64xi32, #tpu.memory_space<hbm>>) target(%arg5 : memref<128x64xi32, #tpu.memory_space<vmem>>) target_semaphore(%run_scoped3A : memref<!tpu.dma_semaphore, #tpu.memory_space<semaphore_mem>>)
      %dma_wait3A_334 = arith.constant 0 : i32
      %dma_wait3A_335 = arith.constant 0 : i32
      %dma_wait3A_336 = tpu.memref_slice %arg3[%add3A, %dma_wait3A_334, %dma_wait3A_335] : memref<32x128x64xi32, #tpu.memory_space<hbm>> -> memref<1x128x64xi32, #tpu.memory_space<hbm>>
      %dma_wait3A_337 = tpu.memref_squeeze %dma_wait3A_336 : memref<1x128x64xi32, #tpu.memory_space<hbm>> -> memref<128x64xi32, #tpu.memory_space<hbm>>
      %dma_wait3A_338 = arith.constant 0 : i32
      %dma_wait3A_339 = arith.constant 0 : i32
      %dma_wait3A_340 = tpu.memref_slice %arg3[%add3A, %dma_wait3A_338, %dma_wait3A_339] : memref<32x128x64xi32, #tpu.memory_space<hbm>> -> memref<1x128x64xi32, #tpu.memory_space<hbm>>
      %dma_wait3A_341 = tpu.memref_squeeze %dma_wait3A_340 : memref<1x128x64xi32, #tpu.memory_space<hbm>> -> memref<128x64xi32, #tpu.memory_space<hbm>>
      tpu.wait_dma2 semaphore(%run_scoped3A : memref<!tpu.dma_semaphore, #tpu.memory_space<semaphore_mem>>) src(%dma_wait3A_341 : memref<128x64xi32, #tpu.memory_space<hbm>>) dst(%arg5 : memref<128x64xi32, #tpu.memory_space<vmem>>)
      tpu.yield
    }) : () -> ()
    %dma_start3A = arith.constant 0 : i32
    %dma_start3A_3 = arith.constant 0 : i32
    %dma_start3A_4 = arith.constant 0 : i32
    %dma_start3A_5 = arith.constant 0 : i32
    %dma_start3A_6 = arith.constant 0 : i32
    %dma_start3A_7 = tpu.memref_slice %arg6[%dma_start3A_3, %dma_start3A_4, %dma_start3A_5, %dma_start3A_6] : memref<3x64x2x128xf32, #tpu.memory_space<vmem>> -> memref<1x64x2x128xf32, #tpu.memory_space<vmem>>
    %dma_start3A_8 = tpu.memref_squeeze %dma_start3A_7 : memref<1x64x2x128xf32, #tpu.memory_space<vmem>> -> memref<64x2x128xf32, #tpu.memory_space<vmem>>
    %dma_start3A_9 = arith.constant 0 : i32
    %dma_start3A_10 = tpu.memref_slice %arg5[%dma_start3A, %dma_start3A_9] : memref<128x64xi32, #tpu.memory_space<vmem>> -> memref<1x64xi32, #tpu.memory_space<vmem>>
    %dma_start3A_11 = tpu.memref_squeeze %dma_start3A_10 : memref<1x64xi32, #tpu.memory_space<vmem>> -> memref<64xi32, #tpu.memory_space<vmem>>
    %dma_start3A_12 = arith.constant 0 : i32
    %dma_start3A_13 = arith.constant 0 : i32
    %dma_start3A_14 = arith.constant 0 : i32
    %dma_start3A_15 = tpu.memref_slice %arg2[%dma_start3A_12, %dma_start3A_13, %dma_start3A_14] : memref<8192x2x128xf32, #tpu.memory_space<hbm>> -> memref<8192x2x128xf32, #tpu.memory_space<hbm>>
    tpu.enqueue_indirect_dma source(%dma_start3A_15 : memref<8192x2x128xf32, #tpu.memory_space<hbm>>) target(%dma_start3A_8 : memref<64x2x128xf32, #tpu.memory_space<vmem>>) offsets(%dma_start3A_11 : memref<64xi32, #tpu.memory_space<vmem>>) semaphore(%arg7 : memref<!tpu.dma_semaphore, #tpu.memory_space<semaphore_mem>>)
    %dma_start3A_16 = arith.constant 1 : i32
    %dma_start3A_17 = arith.constant 1 : i32
    %dma_start3A_18 = arith.constant 0 : i32
    %dma_start3A_19 = arith.constant 0 : i32
    %dma_start3A_20 = arith.constant 0 : i32
    %dma_start3A_21 = tpu.memref_slice %arg6[%dma_start3A_17, %dma_start3A_18, %dma_start3A_19, %dma_start3A_20] : memref<3x64x2x128xf32, #tpu.memory_space<vmem>> -> memref<1x64x2x128xf32, #tpu.memory_space<vmem>>
    %dma_start3A_22 = tpu.memref_squeeze %dma_start3A_21 : memref<1x64x2x128xf32, #tpu.memory_space<vmem>> -> memref<64x2x128xf32, #tpu.memory_space<vmem>>
    %dma_start3A_23 = arith.constant 0 : i32
    %dma_start3A_24 = tpu.memref_slice %arg5[%dma_start3A_16, %dma_start3A_23] : memref<128x64xi32, #tpu.memory_space<vmem>> -> memref<1x64xi32, #tpu.memory_space<vmem>>
    %dma_start3A_25 = tpu.memref_squeeze %dma_start3A_24 : memref<1x64xi32, #tpu.memory_space<vmem>> -> memref<64xi32, #tpu.memory_space<vmem>>
    %dma_start3A_26 = arith.constant 0 : i32
    %dma_start3A_27 = arith.constant 0 : i32
    %dma_start3A_28 = arith.constant 0 : i32
    %dma_start3A_29 = tpu.memref_slice %arg2[%dma_start3A_26, %dma_start3A_27, %dma_start3A_28] : memref<8192x2x128xf32, #tpu.memory_space<hbm>> -> memref<8192x2x128xf32, #tpu.memory_space<hbm>>
    tpu.enqueue_indirect_dma source(%dma_start3A_29 : memref<8192x2x128xf32, #tpu.memory_space<hbm>>) target(%dma_start3A_22 : memref<64x2x128xf32, #tpu.memory_space<vmem>>) offsets(%dma_start3A_25 : memref<64xi32, #tpu.memory_space<vmem>>) semaphore(%arg8 : memref<!tpu.dma_semaphore, #tpu.memory_space<semaphore_mem>>)
    %dma_start3A_30 = arith.constant 2 : i32
    %dma_start3A_31 = arith.constant 2 : i32
    %dma_start3A_32 = arith.constant 0 : i32
    %dma_start3A_33 = arith.constant 0 : i32
    %dma_start3A_34 = arith.constant 0 : i32
    %dma_start3A_35 = tpu.memref_slice %arg6[%dma_start3A_31, %dma_start3A_32, %dma_start3A_33, %dma_start3A_34] : memref<3x64x2x128xf32, #tpu.memory_space<vmem>> -> memref<1x64x2x128xf32, #tpu.memory_space<vmem>>
    %dma_start3A_36 = tpu.memref_squeeze %dma_start3A_35 : memref<1x64x2x128xf32, #tpu.memory_space<vmem>> -> memref<64x2x128xf32, #tpu.memory_space<vmem>>
    %dma_start3A_37 = arith.constant 0 : i32
    %dma_start3A_38 = tpu.memref_slice %arg5[%dma_start3A_30, %dma_start3A_37] : memref<128x64xi32, #tpu.memory_space<vmem>> -> memref<1x64xi32, #tpu.memory_space<vmem>>
    %dma_start3A_39 = tpu.memref_squeeze %dma_start3A_38 : memref<1x64xi32, #tpu.memory_space<vmem>> -> memref<64xi32, #tpu.memory_space<vmem>>
    %dma_start3A_40 = arith.constant 0 : i32
    %dma_start3A_41 = arith.constant 0 : i32
    %dma_start3A_42 = arith.constant 0 : i32
    %dma_start3A_43 = tpu.memref_slice %arg2[%dma_start3A_40, %dma_start3A_41, %dma_start3A_42] : memref<8192x2x128xf32, #tpu.memory_space<hbm>> -> memref<8192x2x128xf32, #tpu.memory_space<hbm>>
    tpu.enqueue_indirect_dma source(%dma_start3A_43 : memref<8192x2x128xf32, #tpu.memory_space<hbm>>) target(%dma_start3A_36 : memref<64x2x128xf32, #tpu.memory_space<vmem>>) offsets(%dma_start3A_39 : memref<64xi32, #tpu.memory_space<vmem>>) semaphore(%arg9 : memref<!tpu.dma_semaphore, #tpu.memory_space<semaphore_mem>>)
    %dma_wait3A = arith.constant 0 : i32
    %dma_wait3A_44 = arith.constant 0 : i32
    %dma_wait3A_45 = arith.constant 0 : i32
    %dma_wait3A_46 = arith.constant 0 : i32
    %dma_wait3A_47 = arith.constant 0 : i32
    %dma_wait3A_48 = tpu.memref_slice %arg6[%dma_wait3A_44, %dma_wait3A_45, %dma_wait3A_46, %dma_wait3A_47] : memref<3x64x2x128xf32, #tpu.memory_space<vmem>> -> memref<1x64x2x128xf32, #tpu.memory_space<vmem>>
    %dma_wait3A_49 = tpu.memref_squeeze %dma_wait3A_48 : memref<1x64x2x128xf32, #tpu.memory_space<vmem>> -> memref<64x2x128xf32, #tpu.memory_space<vmem>>
    %dma_wait3A_50 = arith.constant 0 : i32
    %dma_wait3A_51 = tpu.memref_slice %arg5[%dma_wait3A, %dma_wait3A_50] : memref<128x64xi32, #tpu.memory_space<vmem>> -> memref<1x64xi32, #tpu.memory_space<vmem>>
    %dma_wait3A_52 = tpu.memref_squeeze %dma_wait3A_51 : memref<1x64xi32, #tpu.memory_space<vmem>> -> memref<64xi32, #tpu.memory_space<vmem>>
    %dma_wait3A_53 = arith.constant 0 : i32
    %dma_wait3A_54 = arith.constant 0 : i32
    %dma_wait3A_55 = arith.constant 0 : i32
    %dma_wait3A_56 = tpu.memref_slice %arg2[%dma_wait3A_53, %dma_wait3A_54, %dma_wait3A_55] : memref<8192x2x128xf32, #tpu.memory_space<hbm>> -> memref<8192x2x128xf32, #tpu.memory_space<hbm>>
    tpu.wait_indirect_dma semaphore(%arg7 : memref<!tpu.dma_semaphore, #tpu.memory_space<semaphore_mem>>) src(%dma_wait3A_56 : memref<8192x2x128xf32, #tpu.memory_space<hbm>>) dst(%dma_wait3A_49 : memref<64x2x128xf32, #tpu.memory_space<vmem>>)
    %add3A_57 = arith.constant 0 : i32
    %add3A_58 = arith.addi %mul3A_2, %add3A_57 : i32
    %dma_start3A_59 = arith.constant 0 : i32
    %dma_start3A_60 = arith.constant 0 : i32
    %dma_start3A_61 = arith.constant 0 : i32
    %dma_start3A_62 = arith.constant 0 : i32
    %dma_start3A_63 = tpu.memref_slice %arg6[%dma_start3A_59, %dma_start3A_60, %dma_start3A_61, %dma_start3A_62] : memref<3x64x2x128xf32, #tpu.memory_space<vmem>> -> memref<1x64x2x128xf32, #tpu.memory_space<vmem>>
    %dma_start3A_64 = tpu.memref_squeeze %dma_start3A_63 : memref<1x64x2x128xf32, #tpu.memory_space<vmem>> -> memref<64x2x128xf32, #tpu.memory_space<vmem>>
    %dma_start3A_65 = arith.constant 0 : i32
    %dma_start3A_66 = arith.constant 0 : i32
    %dma_start3A_67 = tpu.memref_slice %arg4[%add3A_58, %dma_start3A_65, %dma_start3A_66] : memref<262144x2x128xf32, #tpu.memory_space<hbm>> -> memref<64x2x128xf32, #tpu.memory_space<hbm>>
    %dma_start3A_68 = arith.constant 0 : i32
    %dma_start3A_69 = arith.constant 0 : i32
    %dma_start3A_70 = tpu.memref_slice %arg4[%add3A_58, %dma_start3A_68, %dma_start3A_69] : memref<262144x2x128xf32, #tpu.memory_space<hbm>> -> memref<64x2x128xf32, #tpu.memory_space<hbm>>
    %dma_start3A_71 = arith.constant 0 : i32
    %dma_start3A_72 = arith.constant 0 : i32
    %dma_start3A_73 = arith.constant 0 : i32
    %dma_start3A_74 = tpu.memref_slice %arg6[%dma_start3A_59, %dma_start3A_71, %dma_start3A_72, %dma_start3A_73] : memref<3x64x2x128xf32, #tpu.memory_space<vmem>> -> memref<1x64x2x128xf32, #tpu.memory_space<vmem>>
    %dma_start3A_75 = tpu.memref_squeeze %dma_start3A_74 : memref<1x64x2x128xf32, #tpu.memory_space<vmem>> -> memref<64x2x128xf32, #tpu.memory_space<vmem>>
    tpu.enqueue_dma source(%dma_start3A_75 : memref<64x2x128xf32, #tpu.memory_space<vmem>>) target(%dma_start3A_70 : memref<64x2x128xf32, #tpu.memory_space<hbm>>) target_semaphore(%arg10 : memref<!tpu.dma_semaphore, #tpu.memory_space<semaphore_mem>>)
    %dma_wait3A_76 = arith.constant 0 : i32
    %dma_wait3A_77 = arith.constant 0 : i32
    %dma_wait3A_78 = arith.constant 0 : i32
    %dma_wait3A_79 = arith.constant 0 : i32
    %dma_wait3A_80 = tpu.memref_slice %arg6[%dma_wait3A_76, %dma_wait3A_77, %dma_wait3A_78, %dma_wait3A_79] : memref<3x64x2x128xf32, #tpu.memory_space<vmem>> -> memref<1x64x2x128xf32, #tpu.memory_space<vmem>>
    %dma_wait3A_81 = tpu.memref_squeeze %dma_wait3A_80 : memref<1x64x2x128xf32, #tpu.memory_space<vmem>> -> memref<64x2x128xf32, #tpu.memory_space<vmem>>
    %dma_wait3A_82 = arith.constant 0 : i32
    %dma_wait3A_83 = arith.constant 0 : i32
    %dma_wait3A_84 = tpu.memref_slice %arg4[%mul3A_2, %dma_wait3A_82, %dma_wait3A_83] : memref<262144x2x128xf32, #tpu.memory_space<hbm>> -> memref<64x2x128xf32, #tpu.memory_space<hbm>>
    %dma_wait3A_85 = arith.constant 0 : i32
    %dma_wait3A_86 = arith.constant 0 : i32
    %dma_wait3A_87 = tpu.memref_slice %arg4[%mul3A_2, %dma_wait3A_85, %dma_wait3A_86] : memref<262144x2x128xf32, #tpu.memory_space<hbm>> -> memref<64x2x128xf32, #tpu.memory_space<hbm>>
    %dma_wait3A_88 = arith.constant 0 : i32
    %dma_wait3A_89 = arith.constant 0 : i32
    %dma_wait3A_90 = arith.constant 0 : i32
    %dma_wait3A_91 = tpu.memref_slice %arg6[%dma_wait3A_76, %dma_wait3A_88, %dma_wait3A_89, %dma_wait3A_90] : memref<3x64x2x128xf32, #tpu.memory_space<vmem>> -> memref<1x64x2x128xf32, #tpu.memory_space<vmem>>
    %dma_wait3A_92 = tpu.memref_squeeze %dma_wait3A_91 : memref<1x64x2x128xf32, #tpu.memory_space<vmem>> -> memref<64x2x128xf32, #tpu.memory_space<vmem>>
    tpu.wait_dma2 semaphore(%arg10 : memref<!tpu.dma_semaphore, #tpu.memory_space<semaphore_mem>>) src(%dma_wait3A_92 : memref<64x2x128xf32, #tpu.memory_space<vmem>>) dst(%dma_wait3A_87 : memref<64x2x128xf32, #tpu.memory_space<hbm>>)
    %dma_start3A_93 = arith.constant 3 : i32
    %dma_start3A_94 = arith.constant 0 : i32
    %dma_start3A_95 = arith.constant 0 : i32
    %dma_start3A_96 = arith.constant 0 : i32
    %dma_start3A_97 = arith.constant 0 : i32
    %dma_start3A_98 = tpu.memref_slice %arg6[%dma_start3A_94, %dma_start3A_95, %dma_start3A_96, %dma_start3A_97] : memref<3x64x2x128xf32, #tpu.memory_space<vmem>> -> memref<1x64x2x128xf32, #tpu.memory_space<vmem>>
    %dma_start3A_99 = tpu.memref_squeeze %dma_start3A_98 : memref<1x64x2x128xf32, #tpu.memory_space<vmem>> -> memref<64x2x128xf32, #tpu.memory_space<vmem>>
    %dma_start3A_100 = arith.constant 0 : i32
    %dma_start3A_101 = tpu.memref_slice %arg5[%dma_start3A_93, %dma_start3A_100] : memref<128x64xi32, #tpu.memory_space<vmem>> -> memref<1x64xi32, #tpu.memory_space<vmem>>
    %dma_start3A_102 = tpu.memref_squeeze %dma_start3A_101 : memref<1x64xi32, #tpu.memory_space<vmem>> -> memref<64xi32, #tpu.memory_space<vmem>>
    %dma_start3A_103 = arith.constant 0 : i32
    %dma_start3A_104 = arith.constant 0 : i32
    %dma_start3A_105 = arith.constant 0 : i32
    %dma_start3A_106 = tpu.memref_slice %arg2[%dma_start3A_103, %dma_start3A_104, %dma_start3A_105] : memref<8192x2x128xf32, #tpu.memory_space<hbm>> -> memref<8192x2x128xf32, #tpu.memory_space<hbm>>
    tpu.enqueue_indirect_dma source(%dma_start3A_106 : memref<8192x2x128xf32, #tpu.memory_space<hbm>>) target(%dma_start3A_99 : memref<64x2x128xf32, #tpu.memory_space<vmem>>) offsets(%dma_start3A_102 : memref<64xi32, #tpu.memory_space<vmem>>) semaphore(%arg7 : memref<!tpu.dma_semaphore, #tpu.memory_space<semaphore_mem>>)
    %dma_wait3A_107 = arith.constant 0 : i32
    %dma_wait3A_108 = arith.constant 1 : i32
    %dma_wait3A_109 = arith.constant 0 : i32
    %dma_wait3A_110 = arith.constant 0 : i32
    %dma_wait3A_111 = arith.constant 0 : i32
    %dma_wait3A_112 = tpu.memref_slice %arg6[%dma_wait3A_108, %dma_wait3A_109, %dma_wait3A_110, %dma_wait3A_111] : memref<3x64x2x128xf32, #tpu.memory_space<vmem>> -> memref<1x64x2x128xf32, #tpu.memory_space<vmem>>
    %dma_wait3A_113 = tpu.memref_squeeze %dma_wait3A_112 : memref<1x64x2x128xf32, #tpu.memory_space<vmem>> -> memref<64x2x128xf32, #tpu.memory_space<vmem>>
    %dma_wait3A_114 = arith.constant 0 : i32
    %dma_wait3A_115 = tpu.memref_slice %arg5[%dma_wait3A_107, %dma_wait3A_114] : memref<128x64xi32, #tpu.memory_space<vmem>> -> memref<1x64xi32, #tpu.memory_space<vmem>>
    %dma_wait3A_116 = tpu.memref_squeeze %dma_wait3A_115 : memref<1x64xi32, #tpu.memory_space<vmem>> -> memref<64xi32, #tpu.memory_space<vmem>>
    %dma_wait3A_117 = arith.constant 0 : i32
    %dma_wait3A_118 = arith.constant 0 : i32
    %dma_wait3A_119 = arith.constant 0 : i32
    %dma_wait3A_120 = tpu.memref_slice %arg2[%dma_wait3A_117, %dma_wait3A_118, %dma_wait3A_119] : memref<8192x2x128xf32, #tpu.memory_space<hbm>> -> memref<8192x2x128xf32, #tpu.memory_space<hbm>>
    tpu.wait_indirect_dma semaphore(%arg8 : memref<!tpu.dma_semaphore, #tpu.memory_space<semaphore_mem>>) src(%dma_wait3A_120 : memref<8192x2x128xf32, #tpu.memory_space<hbm>>) dst(%dma_wait3A_113 : memref<64x2x128xf32, #tpu.memory_space<vmem>>)
    %add3A_121 = arith.constant 64 : i32
    %add3A_122 = arith.addi %mul3A_2, %add3A_121 : i32
    %dma_start3A_123 = arith.constant 1 : i32
    %dma_start3A_124 = arith.constant 0 : i32
    %dma_start3A_125 = arith.constant 0 : i32
    %dma_start3A_126 = arith.constant 0 : i32
    %dma_start3A_127 = tpu.memref_slice %arg6[%dma_start3A_123, %dma_start3A_124, %dma_start3A_125, %dma_start3A_126] : memref<3x64x2x128xf32, #tpu.memory_space<vmem>> -> memref<1x64x2x128xf32, #tpu.memory_space<vmem>>
    %dma_start3A_128 = tpu.memref_squeeze %dma_start3A_127 : memref<1x64x2x128xf32, #tpu.memory_space<vmem>> -> memref<64x2x128xf32, #tpu.memory_space<vmem>>
    %dma_start3A_129 = arith.constant 0 : i32
    %dma_start3A_130 = arith.constant 0 : i32
    %dma_start3A_131 = tpu.memref_slice %arg4[%add3A_122, %dma_start3A_129, %dma_start3A_130] : memref<262144x2x128xf32, #tpu.memory_space<hbm>> -> memref<64x2x128xf32, #tpu.memory_space<hbm>>
    %dma_start3A_132 = arith.constant 0 : i32
    %dma_start3A_133 = arith.constant 0 : i32
    %dma_start3A_134 = tpu.memref_slice %arg4[%add3A_122, %dma_start3A_132, %dma_start3A_133] : memref<262144x2x128xf32, #tpu.memory_space<hbm>> -> memref<64x2x128xf32, #tpu.memory_space<hbm>>
    %dma_start3A_135 = arith.constant 0 : i32
    %dma_start3A_136 = arith.constant 0 : i32
    %dma_start3A_137 = arith.constant 0 : i32
    %dma_start3A_138 = tpu.memref_slice %arg6[%dma_start3A_123, %dma_start3A_135, %dma_start3A_136, %dma_start3A_137] : memref<3x64x2x128xf32, #tpu.memory_space<vmem>> -> memref<1x64x2x128xf32, #tpu.memory_space<vmem>>
    %dma_start3A_139 = tpu.memref_squeeze %dma_start3A_138 : memref<1x64x2x128xf32, #tpu.memory_space<vmem>> -> memref<64x2x128xf32, #tpu.memory_space<vmem>>
    tpu.enqueue_dma source(%dma_start3A_139 : memref<64x2x128xf32, #tpu.memory_space<vmem>>) target(%dma_start3A_134 : memref<64x2x128xf32, #tpu.memory_space<hbm>>) target_semaphore(%arg11 : memref<!tpu.dma_semaphore, #tpu.memory_space<semaphore_mem>>)
    %scan3A = arith.constant 0 : i32
    %scan3A_140 = arith.constant 0 : i32
    %scan3A_141 = arith.constant 41 : i32
    %scan3A_142 = arith.addi %scan3A_140, %scan3A_141 : i32
    %scan3A_143 = arith.constant 1 : i32
    scf.for %scan3A_326 = %scan3A_140 to %scan3A_142 step %scan3A_143  : i32 {
      %mul3A_327 = arith.constant 3 : i32
      %mul3A_328 = arith.muli %mul3A_327, %scan3A_326 : i32
      %add3A_329 = arith.constant 2 : i32
      %add3A_330 = arith.addi %add3A_329, %mul3A_328 : i32
      %add3A_331 = arith.constant 0 : i32
      %add3A_332 = arith.addi %add3A_330, %add3A_331 : i32
      %dma_wait3A_333 = arith.constant 1 : i32
      %dma_wait3A_334 = arith.constant 0 : i32
      %dma_wait3A_335 = arith.constant 0 : i32
      %dma_wait3A_336 = arith.constant 0 : i32
      %dma_wait3A_337 = tpu.memref_slice %arg6[%dma_wait3A_333, %dma_wait3A_334, %dma_wait3A_335, %dma_wait3A_336] : memref<3x64x2x128xf32, #tpu.memory_space<vmem>> -> memref<1x64x2x128xf32, #tpu.memory_space<vmem>>
      %dma_wait3A_338 = tpu.memref_squeeze %dma_wait3A_337 : memref<1x64x2x128xf32, #tpu.memory_space<vmem>> -> memref<64x2x128xf32, #tpu.memory_space<vmem>>
      %dma_wait3A_339 = arith.constant 0 : i32
      %dma_wait3A_340 = arith.constant 0 : i32
      %dma_wait3A_341 = tpu.memref_slice %arg4[%mul3A_2, %dma_wait3A_339, %dma_wait3A_340] : memref<262144x2x128xf32, #tpu.memory_space<hbm>> -> memref<64x2x128xf32, #tpu.memory_space<hbm>>
      %dma_wait3A_342 = arith.constant 0 : i32
      %dma_wait3A_343 = arith.constant 0 : i32
      %dma_wait3A_344 = tpu.memref_slice %arg4[%mul3A_2, %dma_wait3A_342, %dma_wait3A_343] : memref<262144x2x128xf32, #tpu.memory_space<hbm>> -> memref<64x2x128xf32, #tpu.memory_space<hbm>>
      %dma_wait3A_345 = arith.constant 0 : i32
      %dma_wait3A_346 = arith.constant 0 : i32
      %dma_wait3A_347 = arith.constant 0 : i32
      %dma_wait3A_348 = tpu.memref_slice %arg6[%dma_wait3A_333, %dma_wait3A_345, %dma_wait3A_346, %dma_wait3A_347] : memref<3x64x2x128xf32, #tpu.memory_space<vmem>> -> memref<1x64x2x128xf32, #tpu.memory_space<vmem>>
      %dma_wait3A_349 = tpu.memref_squeeze %dma_wait3A_348 : memref<1x64x2x128xf32, #tpu.memory_space<vmem>> -> memref<64x2x128xf32, #tpu.memory_space<vmem>>
      tpu.wait_dma2 semaphore(%arg11 : memref<!tpu.dma_semaphore, #tpu.memory_space<semaphore_mem>>) src(%dma_wait3A_349 : memref<64x2x128xf32, #tpu.memory_space<vmem>>) dst(%dma_wait3A_344 : memref<64x2x128xf32, #tpu.memory_space<hbm>>)
      %add3A_350 = arith.constant 2 : i32
      %add3A_351 = arith.addi %add3A_332, %add3A_350 : i32
      %dma_start3A_352 = arith.constant 1 : i32
      %dma_start3A_353 = arith.constant 0 : i32
      %dma_start3A_354 = arith.constant 0 : i32
      %dma_start3A_355 = arith.constant 0 : i32
      %dma_start3A_356 = tpu.memref_slice %arg6[%dma_start3A_352, %dma_start3A_353, %dma_start3A_354, %dma_start3A_355] : memref<3x64x2x128xf32, #tpu.memory_space<vmem>> -> memref<1x64x2x128xf32, #tpu.memory_space<vmem>>
      %dma_start3A_357 = tpu.memref_squeeze %dma_start3A_356 : memref<1x64x2x128xf32, #tpu.memory_space<vmem>> -> memref<64x2x128xf32, #tpu.memory_space<vmem>>
      %dma_start3A_358 = arith.constant 0 : i32
      %dma_start3A_359 = tpu.memref_slice %arg5[%add3A_351, %dma_start3A_358] : memref<128x64xi32, #tpu.memory_space<vmem>> -> memref<1x64xi32, #tpu.memory_space<vmem>>
      %dma_start3A_360 = tpu.memref_squeeze %dma_start3A_359 : memref<1x64xi32, #tpu.memory_space<vmem>> -> memref<64xi32, #tpu.memory_space<vmem>>
      %dma_start3A_361 = arith.constant 0 : i32
      %dma_start3A_362 = arith.constant 0 : i32
      %dma_start3A_363 = arith.constant 0 : i32
      %dma_start3A_364 = tpu.memref_slice %arg2[%dma_start3A_361, %dma_start3A_362, %dma_start3A_363] : memref<8192x2x128xf32, #tpu.memory_space<hbm>> -> memref<8192x2x128xf32, #tpu.memory_space<hbm>>
      tpu.enqueue_indirect_dma source(%dma_start3A_364 : memref<8192x2x128xf32, #tpu.memory_space<hbm>>) target(%dma_start3A_357 : memref<64x2x128xf32, #tpu.memory_space<vmem>>) offsets(%dma_start3A_360 : memref<64xi32, #tpu.memory_space<vmem>>) semaphore(%arg8 : memref<!tpu.dma_semaphore, #tpu.memory_space<semaphore_mem>>)
      %dma_wait3A_365 = arith.constant 0 : i32
      %dma_wait3A_366 = arith.constant 2 : i32
      %dma_wait3A_367 = arith.constant 0 : i32
      %dma_wait3A_368 = arith.constant 0 : i32
      %dma_wait3A_369 = arith.constant 0 : i32
      %dma_wait3A_370 = tpu.memref_slice %arg6[%dma_wait3A_366, %dma_wait3A_367, %dma_wait3A_368, %dma_wait3A_369] : memref<3x64x2x128xf32, #tpu.memory_space<vmem>> -> memref<1x64x2x128xf32, #tpu.memory_space<vmem>>
      %dma_wait3A_371 = tpu.memref_squeeze %dma_wait3A_370 : memref<1x64x2x128xf32, #tpu.memory_space<vmem>> -> memref<64x2x128xf32, #tpu.memory_space<vmem>>
      %dma_wait3A_372 = arith.constant 0 : i32
      %dma_wait3A_373 = tpu.memref_slice %arg5[%dma_wait3A_365, %dma_wait3A_372] : memref<128x64xi32, #tpu.memory_space<vmem>> -> memref<1x64xi32, #tpu.memory_space<vmem>>
      %dma_wait3A_374 = tpu.memref_squeeze %dma_wait3A_373 : memref<1x64xi32, #tpu.memory_space<vmem>> -> memref<64xi32, #tpu.memory_space<vmem>>
      %dma_wait3A_375 = arith.constant 0 : i32
      %dma_wait3A_376 = arith.constant 0 : i32
      %dma_wait3A_377 = arith.constant 0 : i32
      %dma_wait3A_378 = tpu.memref_slice %arg2[%dma_wait3A_375, %dma_wait3A_376, %dma_wait3A_377] : memref<8192x2x128xf32, #tpu.memory_space<hbm>> -> memref<8192x2x128xf32, #tpu.memory_space<hbm>>
      tpu.wait_indirect_dma semaphore(%arg9 : memref<!tpu.dma_semaphore, #tpu.memory_space<semaphore_mem>>) src(%dma_wait3A_378 : memref<8192x2x128xf32, #tpu.memory_space<hbm>>) dst(%dma_wait3A_371 : memref<64x2x128xf32, #tpu.memory_space<vmem>>)
      %mul3A_379 = arith.constant 64 : i32
      %mul3A_380 = arith.muli %add3A_332, %mul3A_379 : i32
      %add3A_381 = arith.addi %mul3A_2, %mul3A_380 : i32
      %dma_start3A_382 = arith.constant 2 : i32
      %dma_start3A_383 = arith.constant 0 : i32
      %dma_start3A_384 = arith.constant 0 : i32
      %dma_start3A_385 = arith.constant 0 : i32
      %dma_start3A_386 = tpu.memref_slice %arg6[%dma_start3A_382, %dma_start3A_383, %dma_start3A_384, %dma_start3A_385] : memref<3x64x2x128xf32, #tpu.memory_space<vmem>> -> memref<1x64x2x128xf32, #tpu.memory_space<vmem>>
      %dma_start3A_387 = tpu.memref_squeeze %dma_start3A_386 : memref<1x64x2x128xf32, #tpu.memory_space<vmem>> -> memref<64x2x128xf32, #tpu.memory_space<vmem>>
      %dma_start3A_388 = arith.constant 0 : i32
      %dma_start3A_389 = arith.constant 0 : i32
      %dma_start3A_390 = tpu.memref_slice %arg4[%add3A_381, %dma_start3A_388, %dma_start3A_389] : memref<262144x2x128xf32, #tpu.memory_space<hbm>> -> memref<64x2x128xf32, #tpu.memory_space<hbm>>
      %dma_start3A_391 = arith.constant 0 : i32
      %dma_start3A_392 = arith.constant 0 : i32
      %dma_start3A_393 = tpu.memref_slice %arg4[%add3A_381, %dma_start3A_391, %dma_start3A_392] : memref<262144x2x128xf32, #tpu.memory_space<hbm>> -> memref<64x2x128xf32, #tpu.memory_space<hbm>>
      %dma_start3A_394 = arith.constant 0 : i32
      %dma_start3A_395 = arith.constant 0 : i32
      %dma_start3A_396 = arith.constant 0 : i32
      %dma_start3A_397 = tpu.memref_slice %arg6[%dma_start3A_382, %dma_start3A_394, %dma_start3A_395, %dma_start3A_396] : memref<3x64x2x128xf32, #tpu.memory_space<vmem>> -> memref<1x64x2x128xf32, #tpu.memory_space<vmem>>
      %dma_start3A_398 = tpu.memref_squeeze %dma_start3A_397 : memref<1x64x2x128xf32, #tpu.memory_space<vmem>> -> memref<64x2x128xf32, #tpu.memory_space<vmem>>
      tpu.enqueue_dma source(%dma_start3A_398 : memref<64x2x128xf32, #tpu.memory_space<vmem>>) target(%dma_start3A_393 : memref<64x2x128xf32, #tpu.memory_space<hbm>>) target_semaphore(%arg12 : memref<!tpu.dma_semaphore, #tpu.memory_space<semaphore_mem>>)
      %mul3A_399 = arith.constant 3 : i32
      %mul3A_400 = arith.muli %mul3A_399, %scan3A_326 : i32
      %add3A_401 = arith.constant 2 : i32
      %add3A_402 = arith.addi %add3A_401, %mul3A_400 : i32
      %add3A_403 = arith.constant 1 : i32
      %add3A_404 = arith.addi %add3A_402, %add3A_403 : i32
      %dma_wait3A_405 = arith.constant 2 : i32
      %dma_wait3A_406 = arith.constant 0 : i32
      %dma_wait3A_407 = arith.constant 0 : i32
      %dma_wait3A_408 = arith.constant 0 : i32
      %dma_wait3A_409 = tpu.memref_slice %arg6[%dma_wait3A_405, %dma_wait3A_406, %dma_wait3A_407, %dma_wait3A_408] : memref<3x64x2x128xf32, #tpu.memory_space<vmem>> -> memref<1x64x2x128xf32, #tpu.memory_space<vmem>>
      %dma_wait3A_410 = tpu.memref_squeeze %dma_wait3A_409 : memref<1x64x2x128xf32, #tpu.memory_space<vmem>> -> memref<64x2x128xf32, #tpu.memory_space<vmem>>
      %dma_wait3A_411 = arith.constant 0 : i32
      %dma_wait3A_412 = arith.constant 0 : i32
      %dma_wait3A_413 = tpu.memref_slice %arg4[%mul3A_2, %dma_wait3A_411, %dma_wait3A_412] : memref<262144x2x128xf32, #tpu.memory_space<hbm>> -> memref<64x2x128xf32, #tpu.memory_space<hbm>>
      %dma_wait3A_414 = arith.constant 0 : i32
      %dma_wait3A_415 = arith.constant 0 : i32
      %dma_wait3A_416 = tpu.memref_slice %arg4[%mul3A_2, %dma_wait3A_414, %dma_wait3A_415] : memref<262144x2x128xf32, #tpu.memory_space<hbm>> -> memref<64x2x128xf32, #tpu.memory_space<hbm>>
      %dma_wait3A_417 = arith.constant 0 : i32
      %dma_wait3A_418 = arith.constant 0 : i32
      %dma_wait3A_419 = arith.constant 0 : i32
      %dma_wait3A_420 = tpu.memref_slice %arg6[%dma_wait3A_405, %dma_wait3A_417, %dma_wait3A_418, %dma_wait3A_419] : memref<3x64x2x128xf32, #tpu.memory_space<vmem>> -> memref<1x64x2x128xf32, #tpu.memory_space<vmem>>
      %dma_wait3A_421 = tpu.memref_squeeze %dma_wait3A_420 : memref<1x64x2x128xf32, #tpu.memory_space<vmem>> -> memref<64x2x128xf32, #tpu.memory_space<vmem>>
      tpu.wait_dma2 semaphore(%arg12 : memref<!tpu.dma_semaphore, #tpu.memory_space<semaphore_mem>>) src(%dma_wait3A_421 : memref<64x2x128xf32, #tpu.memory_space<vmem>>) dst(%dma_wait3A_416 : memref<64x2x128xf32, #tpu.memory_space<hbm>>)
      %add3A_422 = arith.constant 2 : i32
      %add3A_423 = arith.addi %add3A_404, %add3A_422 : i32
      %dma_start3A_424 = arith.constant 2 : i32
      %dma_start3A_425 = arith.constant 0 : i32
      %dma_start3A_426 = arith.constant 0 : i32
      %dma_start3A_427 = arith.constant 0 : i32
      %dma_start3A_428 = tpu.memref_slice %arg6[%dma_start3A_424, %dma_start3A_425, %dma_start3A_426, %dma_start3A_427] : memref<3x64x2x128xf32, #tpu.memory_space<vmem>> -> memref<1x64x2x128xf32, #tpu.memory_space<vmem>>
      %dma_start3A_429 = tpu.memref_squeeze %dma_start3A_428 : memref<1x64x2x128xf32, #tpu.memory_space<vmem>> -> memref<64x2x128xf32, #tpu.memory_space<vmem>>
      %dma_start3A_430 = arith.constant 0 : i32
      %dma_start3A_431 = tpu.memref_slice %arg5[%add3A_423, %dma_start3A_430] : memref<128x64xi32, #tpu.memory_space<vmem>> -> memref<1x64xi32, #tpu.memory_space<vmem>>
      %dma_start3A_432 = tpu.memref_squeeze %dma_start3A_431 : memref<1x64xi32, #tpu.memory_space<vmem>> -> memref<64xi32, #tpu.memory_space<vmem>>
      %dma_start3A_433 = arith.constant 0 : i32
      %dma_start3A_434 = arith.constant 0 : i32
      %dma_start3A_435 = arith.constant 0 : i32
      %dma_start3A_436 = tpu.memref_slice %arg2[%dma_start3A_433, %dma_start3A_434, %dma_start3A_435] : memref<8192x2x128xf32, #tpu.memory_space<hbm>> -> memref<8192x2x128xf32, #tpu.memory_space<hbm>>
      tpu.enqueue_indirect_dma source(%dma_start3A_436 : memref<8192x2x128xf32, #tpu.memory_space<hbm>>) target(%dma_start3A_429 : memref<64x2x128xf32, #tpu.memory_space<vmem>>) offsets(%dma_start3A_432 : memref<64xi32, #tpu.memory_space<vmem>>) semaphore(%arg9 : memref<!tpu.dma_semaphore, #tpu.memory_space<semaphore_mem>>)
      %dma_wait3A_437 = arith.constant 0 : i32
      %dma_wait3A_438 = arith.constant 0 : i32
      %dma_wait3A_439 = arith.constant 0 : i32
      %dma_wait3A_440 = arith.constant 0 : i32
      %dma_wait3A_441 = arith.constant 0 : i32
      %dma_wait3A_442 = tpu.memref_slice %arg6[%dma_wait3A_438, %dma_wait3A_439, %dma_wait3A_440, %dma_wait3A_441] : memref<3x64x2x128xf32, #tpu.memory_space<vmem>> -> memref<1x64x2x128xf32, #tpu.memory_space<vmem>>
      %dma_wait3A_443 = tpu.memref_squeeze %dma_wait3A_442 : memref<1x64x2x128xf32, #tpu.memory_space<vmem>> -> memref<64x2x128xf32, #tpu.memory_space<vmem>>
      %dma_wait3A_444 = arith.constant 0 : i32
      %dma_wait3A_445 = tpu.memref_slice %arg5[%dma_wait3A_437, %dma_wait3A_444] : memref<128x64xi32, #tpu.memory_space<vmem>> -> memref<1x64xi32, #tpu.memory_space<vmem>>
      %dma_wait3A_446 = tpu.memref_squeeze %dma_wait3A_445 : memref<1x64xi32, #tpu.memory_space<vmem>> -> memref<64xi32, #tpu.memory_space<vmem>>
      %dma_wait3A_447 = arith.constant 0 : i32
      %dma_wait3A_448 = arith.constant 0 : i32
      %dma_wait3A_449 = arith.constant 0 : i32
      %dma_wait3A_450 = tpu.memref_slice %arg2[%dma_wait3A_447, %dma_wait3A_448, %dma_wait3A_449] : memref<8192x2x128xf32, #tpu.memory_space<hbm>> -> memref<8192x2x128xf32, #tpu.memory_space<hbm>>
      tpu.wait_indirect_dma semaphore(%arg7 : memref<!tpu.dma_semaphore, #tpu.memory_space<semaphore_mem>>) src(%dma_wait3A_450 : memref<8192x2x128xf32, #tpu.memory_space<hbm>>) dst(%dma_wait3A_443 : memref<64x2x128xf32, #tpu.memory_space<vmem>>)
      %mul3A_451 = arith.constant 64 : i32
      %mul3A_452 = arith.muli %add3A_404, %mul3A_451 : i32
      %add3A_453 = arith.addi %mul3A_2, %mul3A_452 : i32
      %dma_start3A_454 = arith.constant 0 : i32
      %dma_start3A_455 = arith.constant 0 : i32
      %dma_start3A_456 = arith.constant 0 : i32
      %dma_start3A_457 = arith.constant 0 : i32
      %dma_start3A_458 = tpu.memref_slice %arg6[%dma_start3A_454, %dma_start3A_455, %dma_start3A_456, %dma_start3A_457] : memref<3x64x2x128xf32, #tpu.memory_space<vmem>> -> memref<1x64x2x128xf32, #tpu.memory_space<vmem>>
      %dma_start3A_459 = tpu.memref_squeeze %dma_start3A_458 : memref<1x64x2x128xf32, #tpu.memory_space<vmem>> -> memref<64x2x128xf32, #tpu.memory_space<vmem>>
      %dma_start3A_460 = arith.constant 0 : i32
      %dma_start3A_461 = arith.constant 0 : i32
      %dma_start3A_462 = tpu.memref_slice %arg4[%add3A_453, %dma_start3A_460, %dma_start3A_461] : memref<262144x2x128xf32, #tpu.memory_space<hbm>> -> memref<64x2x128xf32, #tpu.memory_space<hbm>>
      %dma_start3A_463 = arith.constant 0 : i32
      %dma_start3A_464 = arith.constant 0 : i32
      %dma_start3A_465 = tpu.memref_slice %arg4[%add3A_453, %dma_start3A_463, %dma_start3A_464] : memref<262144x2x128xf32, #tpu.memory_space<hbm>> -> memref<64x2x128xf32, #tpu.memory_space<hbm>>
      %dma_start3A_466 = arith.constant 0 : i32
      %dma_start3A_467 = arith.constant 0 : i32
      %dma_start3A_468 = arith.constant 0 : i32
      %dma_start3A_469 = tpu.memref_slice %arg6[%dma_start3A_454, %dma_start3A_466, %dma_start3A_467, %dma_start3A_468] : memref<3x64x2x128xf32, #tpu.memory_space<vmem>> -> memref<1x64x2x128xf32, #tpu.memory_space<vmem>>
      %dma_start3A_470 = tpu.memref_squeeze %dma_start3A_469 : memref<1x64x2x128xf32, #tpu.memory_space<vmem>> -> memref<64x2x128xf32, #tpu.memory_space<vmem>>
      tpu.enqueue_dma source(%dma_start3A_470 : memref<64x2x128xf32, #tpu.memory_space<vmem>>) target(%dma_start3A_465 : memref<64x2x128xf32, #tpu.memory_space<hbm>>) target_semaphore(%arg10 : memref<!tpu.dma_semaphore, #tpu.memory_space<semaphore_mem>>)
      %mul3A_471 = arith.constant 3 : i32
      %mul3A_472 = arith.muli %mul3A_471, %scan3A_326 : i32
      %add3A_473 = arith.constant 2 : i32
      %add3A_474 = arith.addi %add3A_473, %mul3A_472 : i32
      %add3A_475 = arith.constant 2 : i32
      %add3A_476 = arith.addi %add3A_474, %add3A_475 : i32
      %dma_wait3A_477 = arith.constant 0 : i32
      %dma_wait3A_478 = arith.constant 0 : i32
      %dma_wait3A_479 = arith.constant 0 : i32
      %dma_wait3A_480 = arith.constant 0 : i32
      %dma_wait3A_481 = tpu.memref_slice %arg6[%dma_wait3A_477, %dma_wait3A_478, %dma_wait3A_479, %dma_wait3A_480] : memref<3x64x2x128xf32, #tpu.memory_space<vmem>> -> memref<1x64x2x128xf32, #tpu.memory_space<vmem>>
      %dma_wait3A_482 = tpu.memref_squeeze %dma_wait3A_481 : memref<1x64x2x128xf32, #tpu.memory_space<vmem>> -> memref<64x2x128xf32, #tpu.memory_space<vmem>>
      %dma_wait3A_483 = arith.constant 0 : i32
      %dma_wait3A_484 = arith.constant 0 : i32
      %dma_wait3A_485 = tpu.memref_slice %arg4[%mul3A_2, %dma_wait3A_483, %dma_wait3A_484] : memref<262144x2x128xf32, #tpu.memory_space<hbm>> -> memref<64x2x128xf32, #tpu.memory_space<hbm>>
      %dma_wait3A_486 = arith.constant 0 : i32
      %dma_wait3A_487 = arith.constant 0 : i32
      %dma_wait3A_488 = tpu.memref_slice %arg4[%mul3A_2, %dma_wait3A_486, %dma_wait3A_487] : memref<262144x2x128xf32, #tpu.memory_space<hbm>> -> memref<64x2x128xf32, #tpu.memory_space<hbm>>
      %dma_wait3A_489 = arith.constant 0 : i32
      %dma_wait3A_490 = arith.constant 0 : i32
      %dma_wait3A_491 = arith.constant 0 : i32
      %dma_wait3A_492 = tpu.memref_slice %arg6[%dma_wait3A_477, %dma_wait3A_489, %dma_wait3A_490, %dma_wait3A_491] : memref<3x64x2x128xf32, #tpu.memory_space<vmem>> -> memref<1x64x2x128xf32, #tpu.memory_space<vmem>>
      %dma_wait3A_493 = tpu.memref_squeeze %dma_wait3A_492 : memref<1x64x2x128xf32, #tpu.memory_space<vmem>> -> memref<64x2x128xf32, #tpu.memory_space<vmem>>
      tpu.wait_dma2 semaphore(%arg10 : memref<!tpu.dma_semaphore, #tpu.memory_space<semaphore_mem>>) src(%dma_wait3A_493 : memref<64x2x128xf32, #tpu.memory_space<vmem>>) dst(%dma_wait3A_488 : memref<64x2x128xf32, #tpu.memory_space<hbm>>)
      %add3A_494 = arith.constant 2 : i32
      %add3A_495 = arith.addi %add3A_476, %add3A_494 : i32
      %dma_start3A_496 = arith.constant 0 : i32
      %dma_start3A_497 = arith.constant 0 : i32
      %dma_start3A_498 = arith.constant 0 : i32
      %dma_start3A_499 = arith.constant 0 : i32
      %dma_start3A_500 = tpu.memref_slice %arg6[%dma_start3A_496, %dma_start3A_497, %dma_start3A_498, %dma_start3A_499] : memref<3x64x2x128xf32, #tpu.memory_space<vmem>> -> memref<1x64x2x128xf32, #tpu.memory_space<vmem>>
      %dma_start3A_501 = tpu.memref_squeeze %dma_start3A_500 : memref<1x64x2x128xf32, #tpu.memory_space<vmem>> -> memref<64x2x128xf32, #tpu.memory_space<vmem>>
      %dma_start3A_502 = arith.constant 0 : i32
      %dma_start3A_503 = tpu.memref_slice %arg5[%add3A_495, %dma_start3A_502] : memref<128x64xi32, #tpu.memory_space<vmem>> -> memref<1x64xi32, #tpu.memory_space<vmem>>
      %dma_start3A_504 = tpu.memref_squeeze %dma_start3A_503 : memref<1x64xi32, #tpu.memory_space<vmem>> -> memref<64xi32, #tpu.memory_space<vmem>>
      %dma_start3A_505 = arith.constant 0 : i32
      %dma_start3A_506 = arith.constant 0 : i32
      %dma_start3A_507 = arith.constant 0 : i32
      %dma_start3A_508 = tpu.memref_slice %arg2[%dma_start3A_505, %dma_start3A_506, %dma_start3A_507] : memref<8192x2x128xf32, #tpu.memory_space<hbm>> -> memref<8192x2x128xf32, #tpu.memory_space<hbm>>
      tpu.enqueue_indirect_dma source(%dma_start3A_508 : memref<8192x2x128xf32, #tpu.memory_space<hbm>>) target(%dma_start3A_501 : memref<64x2x128xf32, #tpu.memory_space<vmem>>) offsets(%dma_start3A_504 : memref<64xi32, #tpu.memory_space<vmem>>) semaphore(%arg7 : memref<!tpu.dma_semaphore, #tpu.memory_space<semaphore_mem>>)
      %dma_wait3A_509 = arith.constant 0 : i32
      %dma_wait3A_510 = arith.constant 1 : i32
      %dma_wait3A_511 = arith.constant 0 : i32
      %dma_wait3A_512 = arith.constant 0 : i32
      %dma_wait3A_513 = arith.constant 0 : i32
      %dma_wait3A_514 = tpu.memref_slice %arg6[%dma_wait3A_510, %dma_wait3A_511, %dma_wait3A_512, %dma_wait3A_513] : memref<3x64x2x128xf32, #tpu.memory_space<vmem>> -> memref<1x64x2x128xf32, #tpu.memory_space<vmem>>
      %dma_wait3A_515 = tpu.memref_squeeze %dma_wait3A_514 : memref<1x64x2x128xf32, #tpu.memory_space<vmem>> -> memref<64x2x128xf32, #tpu.memory_space<vmem>>
      %dma_wait3A_516 = arith.constant 0 : i32
      %dma_wait3A_517 = tpu.memref_slice %arg5[%dma_wait3A_509, %dma_wait3A_516] : memref<128x64xi32, #tpu.memory_space<vmem>> -> memref<1x64xi32, #tpu.memory_space<vmem>>
      %dma_wait3A_518 = tpu.memref_squeeze %dma_wait3A_517 : memref<1x64xi32, #tpu.memory_space<vmem>> -> memref<64xi32, #tpu.memory_space<vmem>>
      %dma_wait3A_519 = arith.constant 0 : i32
      %dma_wait3A_520 = arith.constant 0 : i32
      %dma_wait3A_521 = arith.constant 0 : i32
      %dma_wait3A_522 = tpu.memref_slice %arg2[%dma_wait3A_519, %dma_wait3A_520, %dma_wait3A_521] : memref<8192x2x128xf32, #tpu.memory_space<hbm>> -> memref<8192x2x128xf32, #tpu.memory_space<hbm>>
      tpu.wait_indirect_dma semaphore(%arg8 : memref<!tpu.dma_semaphore, #tpu.memory_space<semaphore_mem>>) src(%dma_wait3A_522 : memref<8192x2x128xf32, #tpu.memory_space<hbm>>) dst(%dma_wait3A_515 : memref<64x2x128xf32, #tpu.memory_space<vmem>>)
      %mul3A_523 = arith.constant 64 : i32
      %mul3A_524 = arith.muli %add3A_476, %mul3A_523 : i32
      %add3A_525 = arith.addi %mul3A_2, %mul3A_524 : i32
      %dma_start3A_526 = arith.constant 1 : i32
      %dma_start3A_527 = arith.constant 0 : i32
      %dma_start3A_528 = arith.constant 0 : i32
      %dma_start3A_529 = arith.constant 0 : i32
      %dma_start3A_530 = tpu.memref_slice %arg6[%dma_start3A_526, %dma_start3A_527, %dma_start3A_528, %dma_start3A_529] : memref<3x64x2x128xf32, #tpu.memory_space<vmem>> -> memref<1x64x2x128xf32, #tpu.memory_space<vmem>>
      %dma_start3A_531 = tpu.memref_squeeze %dma_start3A_530 : memref<1x64x2x128xf32, #tpu.memory_space<vmem>> -> memref<64x2x128xf32, #tpu.memory_space<vmem>>
      %dma_start3A_532 = arith.constant 0 : i32
      %dma_start3A_533 = arith.constant 0 : i32
      %dma_start3A_534 = tpu.memref_slice %arg4[%add3A_525, %dma_start3A_532, %dma_start3A_533] : memref<262144x2x128xf32, #tpu.memory_space<hbm>> -> memref<64x2x128xf32, #tpu.memory_space<hbm>>
      %dma_start3A_535 = arith.constant 0 : i32
      %dma_start3A_536 = arith.constant 0 : i32
      %dma_start3A_537 = tpu.memref_slice %arg4[%add3A_525, %dma_start3A_535, %dma_start3A_536] : memref<262144x2x128xf32, #tpu.memory_space<hbm>> -> memref<64x2x128xf32, #tpu.memory_space<hbm>>
      %dma_start3A_538 = arith.constant 0 : i32
      %dma_start3A_539 = arith.constant 0 : i32
      %dma_start3A_540 = arith.constant 0 : i32
      %dma_start3A_541 = tpu.memref_slice %arg6[%dma_start3A_526, %dma_start3A_538, %dma_start3A_539, %dma_start3A_540] : memref<3x64x2x128xf32, #tpu.memory_space<vmem>> -> memref<1x64x2x128xf32, #tpu.memory_space<vmem>>
      %dma_start3A_542 = tpu.memref_squeeze %dma_start3A_541 : memref<1x64x2x128xf32, #tpu.memory_space<vmem>> -> memref<64x2x128xf32, #tpu.memory_space<vmem>>
      tpu.enqueue_dma source(%dma_start3A_542 : memref<64x2x128xf32, #tpu.memory_space<vmem>>) target(%dma_start3A_537 : memref<64x2x128xf32, #tpu.memory_space<hbm>>) target_semaphore(%arg11 : memref<!tpu.dma_semaphore, #tpu.memory_space<semaphore_mem>>)
    }
    %scan3A_144 = arith.constant 41 : i32
    %dma_wait3A_145 = arith.constant 1 : i32
    %dma_wait3A_146 = arith.constant 0 : i32
    %dma_wait3A_147 = arith.constant 0 : i32
    %dma_wait3A_148 = arith.constant 0 : i32
    %dma_wait3A_149 = tpu.memref_slice %arg6[%dma_wait3A_145, %dma_wait3A_146, %dma_wait3A_147, %dma_wait3A_148] : memref<3x64x2x128xf32, #tpu.memory_space<vmem>> -> memref<1x64x2x128xf32, #tpu.memory_space<vmem>>
    %dma_wait3A_150 = tpu.memref_squeeze %dma_wait3A_149 : memref<1x64x2x128xf32, #tpu.memory_space<vmem>> -> memref<64x2x128xf32, #tpu.memory_space<vmem>>
    %dma_wait3A_151 = arith.constant 0 : i32
    %dma_wait3A_152 = arith.constant 0 : i32
    %dma_wait3A_153 = tpu.memref_slice %arg4[%mul3A_2, %dma_wait3A_151, %dma_wait3A_152] : memref<262144x2x128xf32, #tpu.memory_space<hbm>> -> memref<64x2x128xf32, #tpu.memory_space<hbm>>
    %dma_wait3A_154 = arith.constant 0 : i32
    %dma_wait3A_155 = arith.constant 0 : i32
    %dma_wait3A_156 = tpu.memref_slice %arg4[%mul3A_2, %dma_wait3A_154, %dma_wait3A_155] : memref<262144x2x128xf32, #tpu.memory_space<hbm>> -> memref<64x2x128xf32, #tpu.memory_space<hbm>>
    %dma_wait3A_157 = arith.constant 0 : i32
    %dma_wait3A_158 = arith.constant 0 : i32
    %dma_wait3A_159 = arith.constant 0 : i32
    %dma_wait3A_160 = tpu.memref_slice %arg6[%dma_wait3A_145, %dma_wait3A_157, %dma_wait3A_158, %dma_wait3A_159] : memref<3x64x2x128xf32, #tpu.memory_space<vmem>> -> memref<1x64x2x128xf32, #tpu.memory_space<vmem>>
    %dma_wait3A_161 = tpu.memref_squeeze %dma_wait3A_160 : memref<1x64x2x128xf32, #tpu.memory_space<vmem>> -> memref<64x2x128xf32, #tpu.memory_space<vmem>>
    tpu.wait_dma2 semaphore(%arg11 : memref<!tpu.dma_semaphore, #tpu.memory_space<semaphore_mem>>) src(%dma_wait3A_161 : memref<64x2x128xf32, #tpu.memory_space<vmem>>) dst(%dma_wait3A_156 : memref<64x2x128xf32, #tpu.memory_space<hbm>>)
    %dma_start3A_162 = arith.constant 127 : i32
    %dma_start3A_163 = arith.constant 1 : i32
    %dma_start3A_164 = arith.constant 0 : i32
    %dma_start3A_165 = arith.constant 0 : i32
    %dma_start3A_166 = arith.constant 0 : i32
    %dma_start3A_167 = tpu.memref_slice %arg6[%dma_start3A_163, %dma_start3A_164, %dma_start3A_165, %dma_start3A_166] : memref<3x64x2x128xf32, #tpu.memory_space<vmem>> -> memref<1x64x2x128xf32, #tpu.memory_space<vmem>>
    %dma_start3A_168 = tpu.memref_squeeze %dma_start3A_167 : memref<1x64x2x128xf32, #tpu.memory_space<vmem>> -> memref<64x2x128xf32, #tpu.memory_space<vmem>>
    %dma_start3A_169 = arith.constant 0 : i32
    %dma_start3A_170 = tpu.memref_slice %arg5[%dma_start3A_162, %dma_start3A_169] : memref<128x64xi32, #tpu.memory_space<vmem>> -> memref<1x64xi32, #tpu.memory_space<vmem>>
    %dma_start3A_171 = tpu.memref_squeeze %dma_start3A_170 : memref<1x64xi32, #tpu.memory_space<vmem>> -> memref<64xi32, #tpu.memory_space<vmem>>
    %dma_start3A_172 = arith.constant 0 : i32
    %dma_start3A_173 = arith.constant 0 : i32
    %dma_start3A_174 = arith.constant 0 : i32
    %dma_start3A_175 = tpu.memref_slice %arg2[%dma_start3A_172, %dma_start3A_173, %dma_start3A_174] : memref<8192x2x128xf32, #tpu.memory_space<hbm>> -> memref<8192x2x128xf32, #tpu.memory_space<hbm>>
    tpu.enqueue_indirect_dma source(%dma_start3A_175 : memref<8192x2x128xf32, #tpu.memory_space<hbm>>) target(%dma_start3A_168 : memref<64x2x128xf32, #tpu.memory_space<vmem>>) offsets(%dma_start3A_171 : memref<64xi32, #tpu.memory_space<vmem>>) semaphore(%arg8 : memref<!tpu.dma_semaphore, #tpu.memory_space<semaphore_mem>>)
    %dma_wait3A_176 = arith.constant 0 : i32
    %dma_wait3A_177 = arith.constant 2 : i32
    %dma_wait3A_178 = arith.constant 0 : i32
    %dma_wait3A_179 = arith.constant 0 : i32
    %dma_wait3A_180 = arith.constant 0 : i32
    %dma_wait3A_181 = tpu.memref_slice %arg6[%dma_wait3A_177, %dma_wait3A_178, %dma_wait3A_179, %dma_wait3A_180] : memref<3x64x2x128xf32, #tpu.memory_space<vmem>> -> memref<1x64x2x128xf32, #tpu.memory_space<vmem>>
    %dma_wait3A_182 = tpu.memref_squeeze %dma_wait3A_181 : memref<1x64x2x128xf32, #tpu.memory_space<vmem>> -> memref<64x2x128xf32, #tpu.memory_space<vmem>>
    %dma_wait3A_183 = arith.constant 0 : i32
    %dma_wait3A_184 = tpu.memref_slice %arg5[%dma_wait3A_176, %dma_wait3A_183] : memref<128x64xi32, #tpu.memory_space<vmem>> -> memref<1x64xi32, #tpu.memory_space<vmem>>
    %dma_wait3A_185 = tpu.memref_squeeze %dma_wait3A_184 : memref<1x64xi32, #tpu.memory_space<vmem>> -> memref<64xi32, #tpu.memory_space<vmem>>
    %dma_wait3A_186 = arith.constant 0 : i32
    %dma_wait3A_187 = arith.constant 0 : i32
    %dma_wait3A_188 = arith.constant 0 : i32
    %dma_wait3A_189 = tpu.memref_slice %arg2[%dma_wait3A_186, %dma_wait3A_187, %dma_wait3A_188] : memref<8192x2x128xf32, #tpu.memory_space<hbm>> -> memref<8192x2x128xf32, #tpu.memory_space<hbm>>
    tpu.wait_indirect_dma semaphore(%arg9 : memref<!tpu.dma_semaphore, #tpu.memory_space<semaphore_mem>>) src(%dma_wait3A_189 : memref<8192x2x128xf32, #tpu.memory_space<hbm>>) dst(%dma_wait3A_182 : memref<64x2x128xf32, #tpu.memory_space<vmem>>)
    %add3A_190 = arith.constant 8000 : i32
    %add3A_191 = arith.addi %mul3A_2, %add3A_190 : i32
    %dma_start3A_192 = arith.constant 2 : i32
    %dma_start3A_193 = arith.constant 0 : i32
    %dma_start3A_194 = arith.constant 0 : i32
    %dma_start3A_195 = arith.constant 0 : i32
    %dma_start3A_196 = tpu.memref_slice %arg6[%dma_start3A_192, %dma_start3A_193, %dma_start3A_194, %dma_start3A_195] : memref<3x64x2x128xf32, #tpu.memory_space<vmem>> -> memref<1x64x2x128xf32, #tpu.memory_space<vmem>>
    %dma_start3A_197 = tpu.memref_squeeze %dma_start3A_196 : memref<1x64x2x128xf32, #tpu.memory_space<vmem>> -> memref<64x2x128xf32, #tpu.memory_space<vmem>>
    %dma_start3A_198 = arith.constant 0 : i32
    %dma_start3A_199 = arith.constant 0 : i32
    %dma_start3A_200 = tpu.memref_slice %arg4[%add3A_191, %dma_start3A_198, %dma_start3A_199] : memref<262144x2x128xf32, #tpu.memory_space<hbm>> -> memref<64x2x128xf32, #tpu.memory_space<hbm>>
    %dma_start3A_201 = arith.constant 0 : i32
    %dma_start3A_202 = arith.constant 0 : i32
    %dma_start3A_203 = tpu.memref_slice %arg4[%add3A_191, %dma_start3A_201, %dma_start3A_202] : memref<262144x2x128xf32, #tpu.memory_space<hbm>> -> memref<64x2x128xf32, #tpu.memory_space<hbm>>
    %dma_start3A_204 = arith.constant 0 : i32
    %dma_start3A_205 = arith.constant 0 : i32
    %dma_start3A_206 = arith.constant 0 : i32
    %dma_start3A_207 = tpu.memref_slice %arg6[%dma_start3A_192, %dma_start3A_204, %dma_start3A_205, %dma_start3A_206] : memref<3x64x2x128xf32, #tpu.memory_space<vmem>> -> memref<1x64x2x128xf32, #tpu.memory_space<vmem>>
    %dma_start3A_208 = tpu.memref_squeeze %dma_start3A_207 : memref<1x64x2x128xf32, #tpu.memory_space<vmem>> -> memref<64x2x128xf32, #tpu.memory_space<vmem>>
    tpu.enqueue_dma source(%dma_start3A_208 : memref<64x2x128xf32, #tpu.memory_space<vmem>>) target(%dma_start3A_203 : memref<64x2x128xf32, #tpu.memory_space<hbm>>) target_semaphore(%arg12 : memref<!tpu.dma_semaphore, #tpu.memory_space<semaphore_mem>>)
    %dma_wait3A_209 = arith.constant 0 : i32
    %dma_wait3A_210 = arith.constant 0 : i32
    %dma_wait3A_211 = arith.constant 0 : i32
    %dma_wait3A_212 = arith.constant 0 : i32
    %dma_wait3A_213 = arith.constant 0 : i32
    %dma_wait3A_214 = tpu.memref_slice %arg6[%dma_wait3A_210, %dma_wait3A_211, %dma_wait3A_212, %dma_wait3A_213] : memref<3x64x2x128xf32, #tpu.memory_space<vmem>> -> memref<1x64x2x128xf32, #tpu.memory_space<vmem>>
    %dma_wait3A_215 = tpu.memref_squeeze %dma_wait3A_214 : memref<1x64x2x128xf32, #tpu.memory_space<vmem>> -> memref<64x2x128xf32, #tpu.memory_space<vmem>>
    %dma_wait3A_216 = arith.constant 0 : i32
    %dma_wait3A_217 = tpu.memref_slice %arg5[%dma_wait3A_209, %dma_wait3A_216] : memref<128x64xi32, #tpu.memory_space<vmem>> -> memref<1x64xi32, #tpu.memory_space<vmem>>
    %dma_wait3A_218 = tpu.memref_squeeze %dma_wait3A_217 : memref<1x64xi32, #tpu.memory_space<vmem>> -> memref<64xi32, #tpu.memory_space<vmem>>
    %dma_wait3A_219 = arith.constant 0 : i32
    %dma_wait3A_220 = arith.constant 0 : i32
    %dma_wait3A_221 = arith.constant 0 : i32
    %dma_wait3A_222 = tpu.memref_slice %arg2[%dma_wait3A_219, %dma_wait3A_220, %dma_wait3A_221] : memref<8192x2x128xf32, #tpu.memory_space<hbm>> -> memref<8192x2x128xf32, #tpu.memory_space<hbm>>
    tpu.wait_indirect_dma semaphore(%arg7 : memref<!tpu.dma_semaphore, #tpu.memory_space<semaphore_mem>>) src(%dma_wait3A_222 : memref<8192x2x128xf32, #tpu.memory_space<hbm>>) dst(%dma_wait3A_215 : memref<64x2x128xf32, #tpu.memory_space<vmem>>)
    %add3A_223 = arith.constant 8064 : i32
    %add3A_224 = arith.addi %mul3A_2, %add3A_223 : i32
    %dma_start3A_225 = arith.constant 0 : i32
    %dma_start3A_226 = arith.constant 0 : i32
    %dma_start3A_227 = arith.constant 0 : i32
    %dma_start3A_228 = arith.constant 0 : i32
    %dma_start3A_229 = tpu.memref_slice %arg6[%dma_start3A_225, %dma_start3A_226, %dma_start3A_227, %dma_start3A_228] : memref<3x64x2x128xf32, #tpu.memory_space<vmem>> -> memref<1x64x2x128xf32, #tpu.memory_space<vmem>>
    %dma_start3A_230 = tpu.memref_squeeze %dma_start3A_229 : memref<1x64x2x128xf32, #tpu.memory_space<vmem>> -> memref<64x2x128xf32, #tpu.memory_space<vmem>>
    %dma_start3A_231 = arith.constant 0 : i32
    %dma_start3A_232 = arith.constant 0 : i32
    %dma_start3A_233 = tpu.memref_slice %arg4[%add3A_224, %dma_start3A_231, %dma_start3A_232] : memref<262144x2x128xf32, #tpu.memory_space<hbm>> -> memref<64x2x128xf32, #tpu.memory_space<hbm>>
    %dma_start3A_234 = arith.constant 0 : i32
    %dma_start3A_235 = arith.constant 0 : i32
    %dma_start3A_236 = tpu.memref_slice %arg4[%add3A_224, %dma_start3A_234, %dma_start3A_235] : memref<262144x2x128xf32, #tpu.memory_space<hbm>> -> memref<64x2x128xf32, #tpu.memory_space<hbm>>
    %dma_start3A_237 = arith.constant 0 : i32
    %dma_start3A_238 = arith.constant 0 : i32
    %dma_start3A_239 = arith.constant 0 : i32
    %dma_start3A_240 = tpu.memref_slice %arg6[%dma_start3A_225, %dma_start3A_237, %dma_start3A_238, %dma_start3A_239] : memref<3x64x2x128xf32, #tpu.memory_space<vmem>> -> memref<1x64x2x128xf32, #tpu.memory_space<vmem>>
    %dma_start3A_241 = tpu.memref_squeeze %dma_start3A_240 : memref<1x64x2x128xf32, #tpu.memory_space<vmem>> -> memref<64x2x128xf32, #tpu.memory_space<vmem>>
    tpu.enqueue_dma source(%dma_start3A_241 : memref<64x2x128xf32, #tpu.memory_space<vmem>>) target(%dma_start3A_236 : memref<64x2x128xf32, #tpu.memory_space<hbm>>) target_semaphore(%arg10 : memref<!tpu.dma_semaphore, #tpu.memory_space<semaphore_mem>>)
    %dma_wait3A_242 = arith.constant 0 : i32
    %dma_wait3A_243 = arith.constant 1 : i32
    %dma_wait3A_244 = arith.constant 0 : i32
    %dma_wait3A_245 = arith.constant 0 : i32
    %dma_wait3A_246 = arith.constant 0 : i32
    %dma_wait3A_247 = tpu.memref_slice %arg6[%dma_wait3A_243, %dma_wait3A_244, %dma_wait3A_245, %dma_wait3A_246] : memref<3x64x2x128xf32, #tpu.memory_space<vmem>> -> memref<1x64x2x128xf32, #tpu.memory_space<vmem>>
    %dma_wait3A_248 = tpu.memref_squeeze %dma_wait3A_247 : memref<1x64x2x128xf32, #tpu.memory_space<vmem>> -> memref<64x2x128xf32, #tpu.memory_space<vmem>>
    %dma_wait3A_249 = arith.constant 0 : i32
    %dma_wait3A_250 = tpu.memref_slice %arg5[%dma_wait3A_242, %dma_wait3A_249] : memref<128x64xi32, #tpu.memory_space<vmem>> -> memref<1x64xi32, #tpu.memory_space<vmem>>
    %dma_wait3A_251 = tpu.memref_squeeze %dma_wait3A_250 : memref<1x64xi32, #tpu.memory_space<vmem>> -> memref<64xi32, #tpu.memory_space<vmem>>
    %dma_wait3A_252 = arith.constant 0 : i32
    %dma_wait3A_253 = arith.constant 0 : i32
    %dma_wait3A_254 = arith.constant 0 : i32
    %dma_wait3A_255 = tpu.memref_slice %arg2[%dma_wait3A_252, %dma_wait3A_253, %dma_wait3A_254] : memref<8192x2x128xf32, #tpu.memory_space<hbm>> -> memref<8192x2x128xf32, #tpu.memory_space<hbm>>
    tpu.wait_indirect_dma semaphore(%arg8 : memref<!tpu.dma_semaphore, #tpu.memory_space<semaphore_mem>>) src(%dma_wait3A_255 : memref<8192x2x128xf32, #tpu.memory_space<hbm>>) dst(%dma_wait3A_248 : memref<64x2x128xf32, #tpu.memory_space<vmem>>)
    %add3A_256 = arith.constant 8128 : i32
    %add3A_257 = arith.addi %mul3A_2, %add3A_256 : i32
    %dma_start3A_258 = arith.constant 1 : i32
    %dma_start3A_259 = arith.constant 0 : i32
    %dma_start3A_260 = arith.constant 0 : i32
    %dma_start3A_261 = arith.constant 0 : i32
    %dma_start3A_262 = tpu.memref_slice %arg6[%dma_start3A_258, %dma_start3A_259, %dma_start3A_260, %dma_start3A_261] : memref<3x64x2x128xf32, #tpu.memory_space<vmem>> -> memref<1x64x2x128xf32, #tpu.memory_space<vmem>>
    %dma_start3A_263 = tpu.memref_squeeze %dma_start3A_262 : memref<1x64x2x128xf32, #tpu.memory_space<vmem>> -> memref<64x2x128xf32, #tpu.memory_space<vmem>>
    %dma_start3A_264 = arith.constant 0 : i32
    %dma_start3A_265 = arith.constant 0 : i32
    %dma_start3A_266 = tpu.memref_slice %arg4[%add3A_257, %dma_start3A_264, %dma_start3A_265] : memref<262144x2x128xf32, #tpu.memory_space<hbm>> -> memref<64x2x128xf32, #tpu.memory_space<hbm>>
    %dma_start3A_267 = arith.constant 0 : i32
    %dma_start3A_268 = arith.constant 0 : i32
    %dma_start3A_269 = tpu.memref_slice %arg4[%add3A_257, %dma_start3A_267, %dma_start3A_268] : memref<262144x2x128xf32, #tpu.memory_space<hbm>> -> memref<64x2x128xf32, #tpu.memory_space<hbm>>
    %dma_start3A_270 = arith.constant 0 : i32
    %dma_start3A_271 = arith.constant 0 : i32
    %dma_start3A_272 = arith.constant 0 : i32
    %dma_start3A_273 = tpu.memref_slice %arg6[%dma_start3A_258, %dma_start3A_270, %dma_start3A_271, %dma_start3A_272] : memref<3x64x2x128xf32, #tpu.memory_space<vmem>> -> memref<1x64x2x128xf32, #tpu.memory_space<vmem>>
    %dma_start3A_274 = tpu.memref_squeeze %dma_start3A_273 : memref<1x64x2x128xf32, #tpu.memory_space<vmem>> -> memref<64x2x128xf32, #tpu.memory_space<vmem>>
    tpu.enqueue_dma source(%dma_start3A_274 : memref<64x2x128xf32, #tpu.memory_space<vmem>>) target(%dma_start3A_269 : memref<64x2x128xf32, #tpu.memory_space<hbm>>) target_semaphore(%arg11 : memref<!tpu.dma_semaphore, #tpu.memory_space<semaphore_mem>>)
    %dma_wait3A_275 = arith.constant 0 : i32
    %dma_wait3A_276 = arith.constant 0 : i32
    %dma_wait3A_277 = arith.constant 0 : i32
    %dma_wait3A_278 = arith.constant 0 : i32
    %dma_wait3A_279 = tpu.memref_slice %arg6[%dma_wait3A_275, %dma_wait3A_276, %dma_wait3A_277, %dma_wait3A_278] : memref<3x64x2x128xf32, #tpu.memory_space<vmem>> -> memref<1x64x2x128xf32, #tpu.memory_space<vmem>>
    %dma_wait3A_280 = tpu.memref_squeeze %dma_wait3A_279 : memref<1x64x2x128xf32, #tpu.memory_space<vmem>> -> memref<64x2x128xf32, #tpu.memory_space<vmem>>
    %dma_wait3A_281 = arith.constant 0 : i32
    %dma_wait3A_282 = arith.constant 0 : i32
    %dma_wait3A_283 = tpu.memref_slice %arg4[%mul3A_2, %dma_wait3A_281, %dma_wait3A_282] : memref<262144x2x128xf32, #tpu.memory_space<hbm>> -> memref<64x2x128xf32, #tpu.memory_space<hbm>>
    %dma_wait3A_284 = arith.constant 0 : i32
    %dma_wait3A_285 = arith.constant 0 : i32
    %dma_wait3A_286 = tpu.memref_slice %arg4[%mul3A_2, %dma_wait3A_284, %dma_wait3A_285] : memref<262144x2x128xf32, #tpu.memory_space<hbm>> -> memref<64x2x128xf32, #tpu.memory_space<hbm>>
    %dma_wait3A_287 = arith.constant 0 : i32
    %dma_wait3A_288 = arith.constant 0 : i32
    %dma_wait3A_289 = arith.constant 0 : i32
    %dma_wait3A_290 = tpu.memref_slice %arg6[%dma_wait3A_275, %dma_wait3A_287, %dma_wait3A_288, %dma_wait3A_289] : memref<3x64x2x128xf32, #tpu.memory_space<vmem>> -> memref<1x64x2x128xf32, #tpu.memory_space<vmem>>
    %dma_wait3A_291 = tpu.memref_squeeze %dma_wait3A_290 : memref<1x64x2x128xf32, #tpu.memory_space<vmem>> -> memref<64x2x128xf32, #tpu.memory_space<vmem>>
    tpu.wait_dma2 semaphore(%arg10 : memref<!tpu.dma_semaphore, #tpu.memory_space<semaphore_mem>>) src(%dma_wait3A_291 : memref<64x2x128xf32, #tpu.memory_space<vmem>>) dst(%dma_wait3A_286 : memref<64x2x128xf32, #tpu.memory_space<hbm>>)
    %dma_wait3A_292 = arith.constant 1 : i32
    %dma_wait3A_293 = arith.constant 0 : i32
    %dma_wait3A_294 = arith.constant 0 : i32
    %dma_wait3A_295 = arith.constant 0 : i32
    %dma_wait3A_296 = tpu.memref_slice %arg6[%dma_wait3A_292, %dma_wait3A_293, %dma_wait3A_294, %dma_wait3A_295] : memref<3x64x2x128xf32, #tpu.memory_space<vmem>> -> memref<1x64x2x128xf32, #tpu.memory_space<vmem>>
    %dma_wait3A_297 = tpu.memref_squeeze %dma_wait3A_296 : memref<1x64x2x128xf32, #tpu.memory_space<vmem>> -> memref<64x2x128xf32, #tpu.memory_space<vmem>>
    %dma_wait3A_298 = arith.constant 0 : i32
    %dma_wait3A_299 = arith.constant 0 : i32
    %dma_wait3A_300 = tpu.memref_slice %arg4[%mul3A_2, %dma_wait3A_298, %dma_wait3A_299] : memref<262144x2x128xf32, #tpu.memory_space<hbm>> -> memref<64x2x128xf32, #tpu.memory_space<hbm>>
    %dma_wait3A_301 = arith.constant 0 : i32
    %dma_wait3A_302 = arith.constant 0 : i32
    %dma_wait3A_303 = tpu.memref_slice %arg4[%mul3A_2, %dma_wait3A_301, %dma_wait3A_302] : memref<262144x2x128xf32, #tpu.memory_space<hbm>> -> memref<64x2x128xf32, #tpu.memory_space<hbm>>
    %dma_wait3A_304 = arith.constant 0 : i32
    %dma_wait3A_305 = arith.constant 0 : i32
    %dma_wait3A_306 = arith.constant 0 : i32
    %dma_wait3A_307 = tpu.memref_slice %arg6[%dma_wait3A_292, %dma_wait3A_304, %dma_wait3A_305, %dma_wait3A_306] : memref<3x64x2x128xf32, #tpu.memory_space<vmem>> -> memref<1x64x2x128xf32, #tpu.memory_space<vmem>>
    %dma_wait3A_308 = tpu.memref_squeeze %dma_wait3A_307 : memref<1x64x2x128xf32, #tpu.memory_space<vmem>> -> memref<64x2x128xf32, #tpu.memory_space<vmem>>
    tpu.wait_dma2 semaphore(%arg11 : memref<!tpu.dma_semaphore, #tpu.memory_space<semaphore_mem>>) src(%dma_wait3A_308 : memref<64x2x128xf32, #tpu.memory_space<vmem>>) dst(%dma_wait3A_303 : memref<64x2x128xf32, #tpu.memory_space<hbm>>)
    %dma_wait3A_309 = arith.constant 2 : i32
    %dma_wait3A_310 = arith.constant 0 : i32
    %dma_wait3A_311 = arith.constant 0 : i32
    %dma_wait3A_312 = arith.constant 0 : i32
    %dma_wait3A_313 = tpu.memref_slice %arg6[%dma_wait3A_309, %dma_wait3A_310, %dma_wait3A_311, %dma_wait3A_312] : memref<3x64x2x128xf32, #tpu.memory_space<vmem>> -> memref<1x64x2x128xf32, #tpu.memory_space<vmem>>
    %dma_wait3A_314 = tpu.memref_squeeze %dma_wait3A_313 : memref<1x64x2x128xf32, #tpu.memory_space<vmem>> -> memref<64x2x128xf32, #tpu.memory_space<vmem>>
    %dma_wait3A_315 = arith.constant 0 : i32
    %dma_wait3A_316 = arith.constant 0 : i32
    %dma_wait3A_317 = tpu.memref_slice %arg4[%mul3A_2, %dma_wait3A_315, %dma_wait3A_316] : memref<262144x2x128xf32, #tpu.memory_space<hbm>> -> memref<64x2x128xf32, #tpu.memory_space<hbm>>
    %dma_wait3A_318 = arith.constant 0 : i32
    %dma_wait3A_319 = arith.constant 0 : i32
    %dma_wait3A_320 = tpu.memref_slice %arg4[%mul3A_2, %dma_wait3A_318, %dma_wait3A_319] : memref<262144x2x128xf32, #tpu.memory_space<hbm>> -> memref<64x2x128xf32, #tpu.memory_space<hbm>>
    %dma_wait3A_321 = arith.constant 0 : i32
    %dma_wait3A_322 = arith.constant 0 : i32
    %dma_wait3A_323 = arith.constant 0 : i32
    %dma_wait3A_324 = tpu.memref_slice %arg6[%dma_wait3A_309, %dma_wait3A_321, %dma_wait3A_322, %dma_wait3A_323] : memref<3x64x2x128xf32, #tpu.memory_space<vmem>> -> memref<1x64x2x128xf32, #tpu.memory_space<vmem>>
    %dma_wait3A_325 = tpu.memref_squeeze %dma_wait3A_324 : memref<1x64x2x128xf32, #tpu.memory_space<vmem>> -> memref<64x2x128xf32, #tpu.memory_space<vmem>>
    tpu.wait_dma2 semaphore(%arg12 : memref<!tpu.dma_semaphore, #tpu.memory_space<semaphore_mem>>) src(%dma_wait3A_325 : memref<64x2x128xf32, #tpu.memory_space<vmem>>) dst(%dma_wait3A_320 : memref<64x2x128xf32, #tpu.memory_space<hbm>>)
    return
  }
}

</mosaic_0001>

<sc_bundles>
// kernel: kernel.3.cloned.1.call-start
scs
__scs_entry_jumppad:
0x0: {  	(pc) =	sbr.rel $0x88, $3  }
0x1: {  	(tag) =	ssettag $0x0;
	lr =	simm.s32 $0x1  }
0x2: {  	[smem:$0x3F9F] =	sst lr;
	_ =	strace $0xD0000000  }
0x3: {  	_ = 	snop  }
0x4: {  	_ = 	snop  }
0x5: {  	_ = 	snop  }
0x6: {  	_ = 	snop  }
0x7: {  	_ = 	snop  }
__scs_overlays_trampoline_lowered:
0x8: {  	[smem:$0x3FAE] =	sst s0  }
0x9: {  	[smem:$0x3FAF] =	sst s1  }
0xa: {  	[smem:$0x3FB0] =	sst s2  }
0xb: {  	[smem:$0x3FB1] =	sst s3  }
0xc: {  	[smem:$0x3FB2] =	sst s4  }
0xd: {  	[smem:$0x3FB3] =	sst s5  }
0xe: {  	[smem:$0x3FB4] =	sst s6  }
0xf: {  	[smem:$0x3FB5] =	sst s7  }
0x10: {  	[smem:$0x3FB6] =	sst s8  }
0x11: {  	[smem:$0x3FB7] =	sst s9;
	s0 =	simm.s32 @!p0 $0x0  }
0x12: {  	s1 =	sld [smem:$0x3F9D];
	s0 =	simm.s32 @p0 $0x1  }
0x13: {  	[smem:$0x3FB8] =	sst s0;
	s0 =	simm.s32 @!p1 $0x0  }
0x14: {  	s2 =	sld [smem:$0x3F9C];
	s0 =	simm.s32 @p1 $0x1  }
0x15: {  	[smem:$0x3FB9] =	sst s0;
	s0 =	simm.s32 @!p2 $0x0  }
0x16: {  	s3 =	sld [smem:$0x3FDB];
	s0 =	simm.s32 @p2 $0x1  }
0x17: {  	s4 =	simm.s32 $0x1BF5;
	[smem:$0x3FBB] =	sst s0  }
0x18: {  	s0 =	sld [smem:$0x3F9E];
	_ =	swait.ge [sflag:s4], $0x0  }
0x19: {  	s7 =	sld [smem:$0x3F9F]  }
0x1a: {  	s8 =	sadd.s32 $0xFFFFE003, lr  }
0x1b: {  	s9 =	sadd.s32 $0xFFFFFEF7, lr;
	s5 =	simm.s32 $0xFFFFFFFF;
	p2 =	slt.u32 s8, $0xFFFFF086  }
0x1c: {  	p1 =	slt.u32 s9, $0xF7A;
	s5 =	simm.s32 @!p2 $0x0  }
0x1d: {  	s5 =	simm.s32 @p1 $0x1;
	p0 =	seq.s32 s7, s2  }
0x1e: {  	s7 =	smul.u32 @!p0 $0xF7A, s2;
	p2 =	seq.s32 @!p0 s5, $0x0  }
0x1f: {  	s9 =	smul.u32 $0xF7A, s1;
	s8 =	simm.s32 @!p0 $0x1BF5;
	p2 =	por !p2, p0  }
0x20: {  	[sflag:s8] =	ssyncset.s32 @!p0 $0xFFFFF086;
	s6 =	sadd.s32 @!p0 s3, s7;
	s7 =	simm.s32 @!p0 $0x108  }
0x21: {  	s3 =	sadd.s32 s3, s9;
	s6 =	sadd.s32 @!p0 $0x88, s6;
	s7 =	simm.s32 @p2 $0x1082  }
0x22: {  	[simem:s7], [sflag:s8] =	dma.local @!p0 [hbm:s6], $0xF7A  }
0x23: {  	s9 =	sor.u32 $0xD0000000, s2;
	s6 =	simm.s32 $0x108;
	_ =	swait.ge @!p0 [sflag:s8], $0x0  }
0x24: {  	s3 =	sadd.s32 $0x88, s3;
	s6 =	simm.s32 @!p1 $0x1082;
	[sflag:s4] =	ssyncset.s32 $0xFFFFF086  }
0x25: {  	[simem:s6], [sflag:s4] =	dma.local [hbm:s3], $0xF7A  }
0x26: {  	[smem:$0x3F9F] =	sst s1;
	(tag) =	ssettag s2;
	_ =	strace s9  }
0x27: {  	s1 =	sld [smem:$0x3FAF]  }
0x28: {  	s2 =	sld [smem:$0x3FB0]  }
0x29: {  	s4 =	sld [smem:$0x3FB2]  }
0x2a: {  	p0 =	seq.s32 s5, $0x0;
	s5 =	sld [smem:$0x3FB3]  }
0x2b: {  	s6 =	sld [smem:$0x3FB4]  }
0x2c: {  	s7 =	sld [smem:$0x3FB5]  }
0x2d: {  	s3 =	simm.s32 $0x108;
	s8 =	sld [smem:$0x3FB6]  }
0x2e: {  	s3 =	simm.s32 @!p0 $0x1082;
	s9 =	sld [smem:$0x3FB7]  }
0x2f: {  	lr =	sadd.s32 s0, s3;
	s0 =	sld [smem:$0x3FAE]  }
0x30: {  	s3 =	sld [smem:$0x3FB1]  }
0x31: {  	[smem:$0x3FBA] =	sst s10  }
0x32: {  	s10 =	sld [smem:$0x3FB8];
	_ =	sdelay $0x3  }
0x33: {  	p0 =	seq.s32 s10, $0x1;
	s10 =	sld [smem:$0x3FBA];
	_ =	sdelay $0x3  }
0x34: {  	[smem:$0x3FBA] =	sst s10  }
0x35: {  	s10 =	sld [smem:$0x3FB9];
	_ =	sdelay $0x3  }
0x36: {  	p1 =	seq.s32 s10, $0x1;
	s10 =	sld [smem:$0x3FBA];
	_ =	sdelay $0x3  }
0x37: {  	[smem:$0x3FBA] =	sst s10  }
0x38: {  	s10 =	sld [smem:$0x3FBB]  }
0x39: {  	_ = 	snop;
	(pc) =	sbr.ind lr, $3  }
0x3a: {  	_ = 	snop  }
0x3b: {  	_ = 	snop  }
0x3c: {  	p2 =	seq.s32 s10, $0x1;
	s10 =	sld [smem:$0x3FBA]  }
0x3d: {  	_ =	shalt  }
0x3e: {  	_ =	shalt  }
0x3f: {  	_ =	shalt  }
0x40: {  	_ =	shalt  }
0x41: {  	_ =	shalt  }
0x42: {  	_ =	shalt  }
0x43: {  	_ =	shalt  }
0x44: {  	_ =	shalt  }
0x45: {  	_ =	shalt  }
0x46: {  	_ =	shalt  }
0x47: {  	_ =	shalt  }
0x48: {  	_ =	shalt  }
0x49: {  	_ =	shalt  }
0x4a: {  	_ =	shalt  }
0x4b: {  	_ =	shalt  }
0x4c: {  	_ =	shalt  }
0x4d: {  	_ =	shalt  }
0x4e: {  	_ =	shalt  }
0x4f: {  	_ =	shalt  }
0x50: {  	_ =	shalt  }
0x51: {  	_ =	shalt  }
0x52: {  	_ =	shalt  }
0x53: {  	_ =	shalt  }
0x54: {  	_ =	shalt  }
0x55: {  	_ =	shalt  }
0x56: {  	_ =	shalt  }
0x57: {  	_ =	shalt  }
0x58: {  	_ =	shalt  }
0x59: {  	_ =	shalt  }
0x5a: {  	_ =	shalt  }
0x5b: {  	_ =	shalt  }
0x5c: {  	_ =	shalt  }
0x5d: {  	_ =	shalt  }
0x5e: {  	_ =	shalt  }
0x5f: {  	_ =	shalt  }
0x60: {  	_ =	shalt  }
0x61: {  	_ =	shalt  }
0x62: {  	_ =	shalt  }
0x63: {  	_ =	shalt  }
0x64: {  	_ =	shalt  }
0x65: {  	_ =	shalt  }
0x66: {  	_ =	shalt  }
0x67: {  	_ =	shalt  }
0x68: {  	_ =	shalt  }
0x69: {  	_ =	shalt  }
0x6a: {  	_ =	shalt  }
0x6b: {  	_ =	shalt  }
0x6c: {  	_ =	shalt  }
0x6d: {  	_ =	shalt  }
0x6e: {  	_ =	shalt  }
0x6f: {  	_ =	shalt  }
0x70: {  	_ =	shalt  }
0x71: {  	_ =	shalt  }
0x72: {  	_ =	shalt  }
0x73: {  	_ =	shalt  }
0x74: {  	_ =	shalt  }
0x75: {  	_ =	shalt  }
0x76: {  	_ =	shalt  }
0x77: {  	_ =	shalt  }
0x78: {  	_ =	shalt  }
0x79: {  	_ =	shalt  }
0x7a: {  	_ =	shalt  }
0x7b: {  	_ =	shalt  }
0x7c: {  	_ =	shalt  }
0x7d: {  	_ =	shalt  }
0x7e: {  	_ =	shalt  }
0x7f: {  	_ =	shalt  }
0x80: {  	_ =	shalt  }
0x81: {  	_ =	shalt  }
0x82: {  	_ =	shalt  }
0x83: {  	_ =	shalt  }
0x84: {  	_ =	shalt  }
0x85: {  	_ =	shalt  }
0x86: {  	_ =	shalt  }
0x87: {  	_ =	shalt  }
.Lfunc_end0:
.L_simem_size_0:
called_computation.1_lowered:
.L_overlay_start_0:
0x88: {  	s2 =	sld [smem:$0x3FD9]  }
0x89: {  	s3 =	sld [smem:$0x3FFE];
	_ =	sdelay $0x1  }
0x8a: {  	s1 =	srdreg.scid  }
0x8b: {  	s0 =	sand.u32 $0x1, s1  }
0x8c: {  	s17 =	sshll.u32 s0, $0xA;
	s2 =	sadd.s32 s3, s2  }
0x8d: {  	s2 =	sadd.s32 s2, s17  }
0x8e: {  	[smem:$0x3FC6] =	sst s2  }
0x8f: {  	_ = 	snop  }
0x90: {  	s2 =	sld [smem:$0x3FD0];
	(tm) =	ssettm $0x1  }
0x91: {  	s18 =	sld [smem:$0x3FFB];
	_ =	sdelay $0x3  }
0x92: {  	_ =	strace s18  }
0x93: {  	s3 =	sld [smem:$0x3FFC];
	_ =	sdelay $0x3  }
0x94: {  	_ =	strace s3  }
0x95: {  	s3 =	sld [smem:$0x3FFD];
	_ =	sdelay $0x3  }
0x96: {  	_ =	strace s3  }
0x97: {  	_ =	strace $0x8FFFFFFF  }
0x98: {  	s19 =	sld [smem:$0x3FDB];
	_ =	sdelay $0x1  }
0x99: {  	s4 =	simm.s32 $_scs_section_size  }
0x9a: {  	s5 =	simm.s32 $_size__tile_overlayer_lowered;
	s6 =	simm.s32 $_tile_overlayer_lowered  }
0x9b: {  	s22 =	simm.s32 $0x1BFF;
	s21 =	sshll.u32 s6, $0x1;
	s3 =	sadd.s32 s4, s19  }
0x9c: {  	s7 =	simm.s32 $0x0;
	s20 =	sshll.u32 s5, $0x1;
	s5 =	sadd.s32 s21, s3  }
0x9d: {  	[timem:s7], [sflag:s22] =	dma.local [hbm:s5], s20  }
0x9e: {  	_ =	swait.ge [sflag:s22], s20  }
0x9f: {  	s4 =	ssub.s32 $0x0, s20;
	[sflag:s22] =	ssyncset.done $0x0  }
0xa0: {  	[sflag:s22] =	ssyncadd.s32 s4;
	_ =	sdelay $0x1  }
0xa1: {  	s23 =	simm.s32 $0x1B8B  }
0xa2: {  	_ =	swait.ge [sflag:s23], $0x1  }
0xa3: {  	[sflag:s23] =	ssyncset.done $0x0  }
0xa4: {  	s25 =	simm.s32 $0x1B8E;
	s24 =	sld [smem:$0x3FFE];
	[sflag:s23] =	ssyncadd.s32 $0xFFFFFFFF  }
0xa5: {  	s26 =	simm.s32 $execute0_lowered;
	[smem:$0x3FD2] =	sst s25  }
0xa6: {  	s5 =	sshll.u32 s26, $0x1;
	_ =	strace $0x80000046;
	[dreg:$0x1] =	wrdreg $0xFFFFFFFF  }
0xa7: {  	s28 =	simm.s32 $_size_execute0_lowered;
	s3 =	sadd.s32 s3, s5;
	[dreg:$0x0] =	wrdreg $0x0  }
0xa8: {  	s5 =	sshll.u32 s28, $0x1;
	[dreg:$0x2] =	wrdreg s3  }
0xa9: {  	[dreg:$0x3] =	wrdreg s5  }
0xaa: {  	[dreg:$0x4] =	wrdreg $0xC0  }
0xab: {  	_ =	task [dreg:s7], $0x5FFFF  }
0xac: {  	[dreg:$0x1] =	wrdreg $0xFFFFFFFF  }
0xad: {  	[dreg:$0x0] =	wrdreg $0x60  }
0xae: {  	[dreg:$0x2] =	wrdreg s2  }
0xaf: {  	[dreg:$0x3] =	wrdreg s24  }
0xb0: {  	[dreg:$0x4] =	wrdreg $0x9  }
0xb1: {  	_ =	task.clear_ibuf [dreg:s7], $0x5FFFF;
	_ =	strace $0x90000046  }
0xb2: {  	s29 =	simm.s32 $0x9;
	_ =	strace $0x80000048  }
0xb3: {  	_ =	swait.ge [sflag:s29], $0x1  }
0xb4: {  	[sflag:s29] =	ssyncadd.s32 $0xFFFFFFFF  }
0xb5: {  	_ =	strace $0x90000048  }
0xb6: {  	_ =	sfence  }
0xb7: {  	s30 =	sld [smem:$0x0];
	_ =	sdelay $0x2  }
0xb8: {  	s31 =	sshll.u32 s1, $0xD;
	s1 =	sshrl.u32 s1, $0x2  }
0xb9: {  	s3 =	sand.u32 $0x4000, s31;
	s1 =	sadd.s32 s1, s30  }
0xba: {  	s0 =	sor.u32 s3, s0;
	s1 =	sshll.u32 s1, $0x11  }
0xbb: {  	s0 =	sor.u32 s1, s0  }
0xbc: {  	s0 =	sadd.s32 $0x8F2B, s0  }
0xbd: {  	[sflag:s0] =	ssyncadd.remote.s32 $0x1  }
0xbe: {  	_ =	sfence.sel $0xFFFF  }
0xbf: {  	[dreg:$0x0] =	wrdreg $0xFFFFFFFF;
	(pc) =	sbr.abs _section_cstart, $3  }
0xc0: {  	[dreg:$0x1] =	wrdreg $0xFFFFFFFF  }
0xc1: {  	_ =	task.clear_ibuf [dreg:s7], $0x2FFFF;
	_ =	strace $0x9FFFFFFF  }
0xc2: {  	(tm) =	ssettm $0x7FFFFFFF  }
0xc3: {  	_ =	shalt  }
tec
execute0_lowered:
.L_overlay_start_1:
0x0: {  	(tag) =	ssettag $0x1  }
0x1: {  	s2 =	rddreg [dreg:$0x0]  }
0x2: {  	s0 =	srdreg.scid;
	s9 =	stileid.u32  }
0x3: {  	s1 =	rddreg [dreg:$0x1];
	s3 =	simm.s32 $0x0;
	s14 =	simm.s32 $0x7  }
0x4: {  	s15 =	simm.s32 $0x40;
	s16 =	simm.s32 $0x4000;
	s18 =	simm.s32 $0x8000  }
0x5: {  	s20 =	simm.s32 $0xC000;
	s21 =	simm.s32 $0x1;
	s22 =	simm.s32 $0x4  }
0x6: {  	s24 =	simm.s32 $0x2;
	s25 =	simm.s32 $0x5;
	s26 =	simm.s32 $0x3  }
0x7: {  	s28 =	simm.s32 $0x6;
	s30 =	simm.s32 $0x0;
	s0 =	sand.u32 $0x1, s0  }
0x8: {  	s4 =	sshll.u32 s9, $0x1;
	[smem:$0x7FF] =	sst s3;
	s11 =	sshll.u32 s9, $0x13  }
0x9: {  	s4 =	sor.u32 s0, s4;
	_ =	strace $0x80000047;
	s6 =	ssub.s32 $0x2, s0  }
0xa: {  	s0 =	sshll.u32 s0, $0x12;
	s5 =	sshll.u32 s4, $0xB;
	s7 =	sshrl.u32 s6, $0x1  }
0xb: {  	s8 =	sshll.u32 s4, $0x12;
	s12 =	sor.u32 s0, s11;
	s5 =	sadd.s32 s5, s1  }
0xc: {  	s1 =	sadd.s32 $0x10800, s1;
	s10 =	ssub.s32 s6, s7;
	s4 =	sadd.s32 $0x800, s5  }
0xd: {  	s5 =	sadd.s32 s1, s8;
	s12 =	sadd.s32 s12, s1;
	s1 =	sadd.s32 s11, s1  }
0xe: {  	s10 =	smax.u32 s10, $0x1;
	s6 =	sadd.s32 $0x800, s5;
	s7 =	sadd.s32 $0x3E800, s5  }
0xf: {  	s8 =	sadd.s32 $0x3F000, s5;
	s9 =	sadd.s32 $0x3F800, s5;
	s0 =	sadd.s32 s0, s1  }
0x10: {  	s11 =	sadd.s32 $0x1800, s12;
	s12 =	sadd.s32 $0x1000, s12;
	s19 =	sadd.s32 $0x2000, s0  }
.LBB2_1:
0x11: {  	[tilespmem:s3], [sflag:$0x7] =	stream.linear.gather [hbm4b:s4+s3], $0x4000, $0x38;
	[tilespmem:$0x10000] =	vst v63  }
0x12: {  	_ =	swait.ge [sflag:s14], $0x4000  }
0x13: {  	[sflag:s14] =	ssyncset.done $0x0  }
0x14: {  	[sflag:s14] =	ssyncadd.s32 $0xFFFFC000  }
0x15: {  	[tilespmem:s16], [sflag:$0x1] =	stream.indirect.gather [hbm4b:s2+s15], $0x100, s3, s15, $0xb8;
	[tilespmem:$0x10000] =	vst v63  }
0x16: {  	s0 =	simm.s32 $0x80  }
0x17: {  	[tilespmem:s18], [sflag:$0x2] =	stream.indirect.gather [hbm4b:s2+s15], $0x100, s0, s15, $0xb8;
	[tilespmem:$0x10000] =	vst v63  }
0x18: {  	s1 =	simm.s32 $0x100  }
0x19: {  	[tilespmem:s20], [sflag:$0x3] =	stream.indirect.gather [hbm4b:s2+s15], $0x100, s1, s15, $0xb8;
	[tilespmem:$0x10000] =	vst v63  }
0x1a: {  	_ =	swait.ge [sflag:s21], $0x4000  }
0x1b: {  	[sflag:s21] =	ssyncset.done $0x0  }
0x1c: {  	[sflag:s21] =	ssyncadd.s32 $0xFFFFC000  }
0x1d: {  	[hbm4b:s5+s3] =	stream.linear.scatter [tilespmem:s16], [sflag:$0x4], $0x4000, $0x38;
	[tilespmem:$0x10000] =	vst v63  }
0x1e: {  	_ =	swait.ge [sflag:s22], $0x4000  }
0x1f: {  	[sflag:s22] =	ssyncset.done $0x0  }
0x20: {  	s13 =	simm.s32 $0x180;
	[sflag:s22] =	ssyncadd.s32 $0xFFFFC000  }
0x21: {  	[tilespmem:s16], [sflag:$0x1] =	stream.indirect.gather [hbm4b:s2+s15], $0x100, s13, s15, $0xb8;
	[tilespmem:$0x10000] =	vst v63  }
0x22: {  	_ =	swait.ge [sflag:s24], $0x4000  }
0x23: {  	[sflag:s24] =	ssyncset.done $0x0  }
0x24: {  	[sflag:s24] =	ssyncadd.s32 $0xFFFFC000  }
0x25: {  	[hbm4b:s6+s3] =	stream.linear.scatter [tilespmem:s18], [sflag:$0x5], $0x4000, $0x38;
	[tilespmem:$0x10000] =	vst v63  }
0x26: {  	_ =	swait.ge [sflag:s25], $0x4000  }
0x27: {  	[sflag:s25] =	ssyncset.done $0x0  }
0x28: {  	s17 =	simm.s32 $0x200;
	[sflag:s25] =	ssyncadd.s32 $0xFFFFC000  }
0x29: {  	[tilespmem:s18], [sflag:$0x2] =	stream.indirect.gather [hbm4b:s2+s15], $0x100, s17, s15, $0xb8;
	[tilespmem:$0x10000] =	vst v63  }
0x2a: {  	_ =	swait.ge [sflag:s26], $0x4000  }
0x2b: {  	[sflag:s26] =	ssyncset.done $0x0  }
0x2c: {  	[sflag:s26] =	ssyncadd.s32 $0xFFFFC000  }
0x2d: {  	[hbm4b:s12+s3] =	stream.linear.scatter [tilespmem:s20], [sflag:$0x6], $0x4000, $0x38;
	[tilespmem:$0x10000] =	vst v63  }
0x2e: {  	_ =	swait.ge [sflag:s28], $0x4000  }
0x2f: {  	[sflag:s28] =	ssyncset.done $0x0  }
0x30: {  	s23 =	simm.s32 $0x280;
	[sflag:s28] =	ssyncadd.s32 $0xFFFFC000  }
0x31: {  	[tilespmem:s20], [sflag:$0x3] =	stream.indirect.gather [hbm4b:s2+s15], $0x100, s23, s15, $0xb8;
	[tilespmem:$0x10000] =	vst v63  }
0x32: {  	_ =	swait.ge [sflag:s21], $0x4000  }
0x33: {  	[sflag:s21] =	ssyncset.done $0x0  }
0x34: {  	[sflag:s21] =	ssyncadd.s32 $0xFFFFC000  }
0x35: {  	[hbm4b:s11+s3] =	stream.linear.scatter [tilespmem:s16], [sflag:$0x4], $0x4000, $0x38;
	[tilespmem:$0x10000] =	vst v63  }
0x36: {  	_ =	swait.ge [sflag:s22], $0x4000  }
0x37: {  	[sflag:s22] =	ssyncset.done $0x0  }
0x38: {  	s29 =	simm.s32 $0x300;
	[sflag:s22] =	ssyncadd.s32 $0xFFFFC000  }
0x39: {  	[tilespmem:s16], [sflag:$0x1] =	stream.indirect.gather [hbm4b:s2+s15], $0x100, s29, s15, $0xb8;
	[tilespmem:$0x10000] =	vst v63  }
0x3a: {  	s31 =	simm.s32 $0x600;
	_ =	swait.ge [sflag:s24], $0x4000  }
0x3b: {  	s0 =	sadd.s32 $0x1800, s11;
	s1 =	sadd.s32 $0x1800, s19;
	[sflag:s24] =	ssyncset.done $0x0  }
0x3c: {  	s13 =	smov.u32 s19;
	s17 =	sadd.s32 $0x1800, s12;
	[sflag:s24] =	ssyncadd.s32 $0xFFFFC000  }
.LBB2_2:
0x3d: {  	[hbm4b:s13+s3] =	stream.linear.scatter [tilespmem:s18], [sflag:$0x5], $0x4000, $0x38;
	[tilespmem:$0x10000] =	vst v63  }
0x3e: {  	s23 =	smov.u32 s31;
	s13 =	smov.u32 s1  }
0x3f: {  	p0 =	sne.s32 s31, $0xF000;
	s31 =	sadd.s32 $0x600, s31;
	_ =	swait.ge [sflag:s25], $0x4000  }
0x40: {  	s23 =	sshra.s32 s23, $0x2;
	[sflag:s25] =	ssyncset.done $0x0  }
0x41: {  	s29 =	sadd.s32 $0x200, s23;
	[sflag:s25] =	ssyncadd.s32 $0xFFFFC000  }
0x42: {  	[tilespmem:s18], [sflag:$0x2] =	stream.indirect.gather [hbm4b:s2+s15], $0x100, s29, s15, $0xb8;
	[tilespmem:$0x10000] =	vst v63  }
0x43: {  	_ =	swait.ge [sflag:s26], $0x4000  }
0x44: {  	[sflag:s26] =	ssyncset.done $0x0  }
0x45: {  	[sflag:s26] =	ssyncadd.s32 $0xFFFFC000  }
0x46: {  	[hbm4b:s17+s3] =	stream.linear.scatter [tilespmem:s20], [sflag:$0x6], $0x4000, $0x38;
	[tilespmem:$0x10000] =	vst v63  }
0x47: {  	_ =	swait.ge [sflag:s28], $0x4000  }
0x48: {  	[sflag:s28] =	ssyncset.done $0x0  }
0x49: {  	s29 =	sadd.s32 $0x280, s23;
	[sflag:s28] =	ssyncadd.s32 $0xFFFFC000  }
0x4a: {  	[tilespmem:s20], [sflag:$0x3] =	stream.indirect.gather [hbm4b:s2+s15], $0x100, s29, s15, $0xb8;
	[tilespmem:$0x10000] =	vst v63  }
0x4b: {  	_ =	swait.ge [sflag:s21], $0x4000  }
0x4c: {  	[sflag:s21] =	ssyncset.done $0x0  }
0x4d: {  	[sflag:s21] =	ssyncadd.s32 $0xFFFFC000  }
0x4e: {  	[hbm4b:s0+s3] =	stream.linear.scatter [tilespmem:s16], [sflag:$0x4], $0x4000, $0x38;
	[tilespmem:$0x10000] =	vst v63  }
0x4f: {  	_ =	swait.ge [sflag:s22], $0x4000  }
0x50: {  	[sflag:s22] =	ssyncset.done $0x0  }
.Ltmp0:
0x51: {  	s23 =	sadd.s32 $0x300, s23;
	[sflag:s22] =	ssyncadd.s32 $0xFFFFC000;
	(pc) =	sbr.rel @p0 .LBB2_2-.Ltmp0, $4  }
0x52: {  	[tilespmem:s16], [sflag:$0x1] =	stream.indirect.gather [hbm4b:s2+s15], $0x100, s23, s15, $0xb8;
	[tilespmem:$0x10000] =	vst v63  }
0x53: {  	_ =	swait.ge [sflag:s24], $0x4000  }
0x54: {  	s1 =	sadd.s32 $0x1800, s1;
	[sflag:s24] =	ssyncset.done $0x0  }
0x55: {  	s17 =	sadd.s32 $0x1800, s17;
	s0 =	sadd.s32 $0x1800, s0;
	[sflag:s24] =	ssyncadd.s32 $0xFFFFC000  }
0x56: {  	[hbm4b:s13+s3] =	stream.linear.scatter [tilespmem:s18], [sflag:$0x5], $0x4000, $0x38;
	[tilespmem:$0x10000] =	vst v63  }
0x57: {  	_ =	swait.ge [sflag:s25], $0x4000  }
0x58: {  	[sflag:s25] =	ssyncset.done $0x0  }
0x59: {  	s0 =	simm.s32 $0x3F80;
	[sflag:s25] =	ssyncadd.s32 $0xFFFFC000  }
0x5a: {  	[tilespmem:s18], [sflag:$0x2] =	stream.indirect.gather [hbm4b:s2+s15], $0x100, s0, s15, $0xb8;
	[tilespmem:$0x10000] =	vst v63  }
0x5b: {  	_ =	swait.ge [sflag:s26], $0x4000  }
0x5c: {  	[sflag:s26] =	ssyncset.done $0x0  }
0x5d: {  	[sflag:s26] =	ssyncadd.s32 $0xFFFFC000  }
0x5e: {  	[hbm4b:s7+s3] =	stream.linear.scatter [tilespmem:s20], [sflag:$0x6], $0x4000, $0x38;
	[tilespmem:$0x10000] =	vst v63  }
0x5f: {  	_ =	swait.ge [sflag:s21], $0x4000  }
0x60: {  	[sflag:s21] =	ssyncset.done $0x0  }
0x61: {  	[sflag:s21] =	ssyncadd.s32 $0xFFFFC000  }
0x62: {  	[hbm4b:s8+s3] =	stream.linear.scatter [tilespmem:s16], [sflag:$0x4], $0x4000, $0x38;
	[tilespmem:$0x10000] =	vst v63  }
0x63: {  	_ =	swait.ge [sflag:s24], $0x4000  }
0x64: {  	[sflag:s24] =	ssyncset.done $0x0  }
0x65: {  	[sflag:s24] =	ssyncadd.s32 $0xFFFFC000  }
0x66: {  	[hbm4b:s9+s3] =	stream.linear.scatter [tilespmem:s18], [sflag:$0x5], $0x4000, $0x38;
	[tilespmem:$0x10000] =	vst v63  }
0x67: {  	_ =	swait.ge [sflag:s22], $0x4000  }
0x68: {  	[sflag:s22] =	ssyncset.done $0x0  }
0x69: {  	s30 =	sadd.s32 $0x1, s30;
	[sflag:s22] =	ssyncadd.s32 $0xFFFFC000  }
0x6a: {  	p0 =	sne.s32 s30, s10;
	_ =	swait.ge [sflag:s25], $0x4000  }
.Ltmp1:
0x6b: {  	[sflag:s25] =	ssyncset.done $0x0;
	(pc) =	sbr.rel @p0 .LBB2_1-.Ltmp1, $4  }
0x6c: {  	[sflag:s25] =	ssyncadd.s32 $0xFFFFC000  }
0x6d: {  	_ =	swait.ge [sflag:s28], $0x4000  }
0x6e: {  	[sflag:s28] =	ssyncset.done $0x0  }
0x6f: {  	[sflag:s28] =	ssyncadd.s32 $0xFFFFC000  }
0x70: {  	_ =	sfence.sel $0x180000  }
0x71: {  	[bflag:$0x0] =	sbarrier.arrive $0xFFFF  }
0x72: {  	_ =	strace $0x90000047  }
0x73: {  	s0 =	stileid.u32;
	[bflag:$0x2] =	sbarrier.arrive $0xFFFF  }
0x74: {  	p0 =	sne.s32 s0, $0x0;
	s0 =	rddreg [dreg:$0x2]  }
0x75: {  	s0 =	sadd.s32 @!p0 $0x100000, s0  }
0x76: {  	[sflag:s0] =	ssyncadd.tile.s32 @!p0 $0x1;
	_ =	shalt  }
.Lfunc_end2:
_tile_overlayer_lowered:
.L_overlay_start_2:
0x77: {  	(tag) =	ssettag $0x2  }
0x78: {  	s0 =	rddreg [dreg:$0x0];
	s2 =	stileid.u32  }
0x79: {  	s1 =	rddreg [dreg:$0x1];
	p0 =	sne.s32 s2, $0x0  }
0x7a: {  	s3 =	rddreg [dreg:$0x2];
	[bflag:$0x3] =	sbarrier.arrive $0xFFFF;
	s2 =	simm.s32 @!p0 $0x1C07  }
0x7b: {  	[timem:s3], [sflag:s2] =	dma.local @!p0 [hbm:s0], s1  }
0x7c: {  	s0 =	simm.s32 @!p0 $0x7  }
0x7d: {  	_ =	swait.ge @!p0 [sflag:s0], s1  }
0x7e: {  	s1 =	ssub.s32 @!p0 $0x0, s1;
	[sflag:s0] =	ssyncset.done @!p0 $0x0  }
0x7f: {  	[sflag:s0] =	ssyncadd.s32 @!p0 s1  }
0x80: {  	[bflag:$0x3] =	sbarrier.arrive $0xFFFF  }
0x81: {  	_ =	shalt  }

// kernel: sparse-core-data-format-call.cloned.1.call-start
scs
called_computation_lowered:
.L_overlay_start_0:
0x0: {  	s2 =	sld [smem:$0x3FD9]  }
0x1: {  	s3 =	sld [smem:$0x3FFE];
	_ =	sdelay $0x1  }
0x2: {  	s1 =	srdreg.scid  }
0x3: {  	s0 =	sand.u32 $0x1, s1  }
0x4: {  	s18 =	sshll.u32 s0, $0xA;
	s2 =	sadd.s32 s3, s2  }
0x5: {  	s2 =	sadd.s32 s2, s18  }
0x6: {  	[smem:$0x3FC6] =	sst s2  }
0x7: {  	_ = 	snop  }
0x8: {  	s2 =	sld [smem:$0x3FD0];
	(tm) =	ssettm $0x1  }
0x9: {  	s19 =	sld [smem:$0x3FFB];
	_ =	sdelay $0x3  }
0xa: {  	_ =	strace s19  }
0xb: {  	s3 =	sld [smem:$0x3FFC];
	_ =	sdelay $0x3  }
0xc: {  	_ =	strace s3  }
0xd: {  	s3 =	sld [smem:$0x3FFD];
	_ =	sdelay $0x3  }
0xe: {  	_ =	strace s3  }
0xf: {  	_ =	strace $0x8FFFFFFF  }
0x10: {  	s20 =	sld [smem:$0x3FDB];
	_ =	sdelay $0x1  }
0x11: {  	s4 =	simm.s32 $_scs_section_size  }
0x12: {  	s5 =	simm.s32 $_size__tile_overlayer_lowered;
	s6 =	simm.s32 $_tile_overlayer_lowered  }
0x13: {  	s23 =	simm.s32 $0x1BFF;
	s22 =	sshll.u32 s6, $0x1;
	s3 =	sadd.s32 s4, s20  }
0x14: {  	s7 =	simm.s32 $0x0;
	s21 =	sshll.u32 s5, $0x1;
	s5 =	sadd.s32 s22, s3  }
0x15: {  	[timem:s7], [sflag:s23] =	dma.local [hbm:s5], s21  }
0x16: {  	_ =	swait.ge [sflag:s23], s21  }
0x17: {  	s4 =	ssub.s32 $0x0, s21;
	[sflag:s23] =	ssyncset.done $0x0  }
0x18: {  	[sflag:s23] =	ssyncadd.s32 s4;
	_ =	sdelay $0x1  }
0x19: {  	s24 =	simm.s32 $0x1B8B  }
0x1a: {  	_ =	swait.ge [sflag:s24], $0x1  }
0x1b: {  	[sflag:s24] =	ssyncset.done $0x0  }
0x1c: {  	s26 =	simm.s32 $0x1B8E;
	s25 =	sld [smem:$0x3FFE];
	[sflag:s24] =	ssyncadd.s32 $0xFFFFFFFF  }
0x1d: {  	s27 =	simm.s32 $execute0_lowered;
	[smem:$0x3FD2] =	sst s26  }
0x1e: {  	s5 =	sshll.u32 s27, $0x1;
	_ =	strace $0x80000049;
	[dreg:$0x1] =	wrdreg $0xFFFFFFFF  }
0x1f: {  	s28 =	simm.s32 $_size_execute0_lowered;
	s3 =	sadd.s32 s3, s5;
	[dreg:$0x0] =	wrdreg $0x0  }
0x20: {  	s5 =	sshll.u32 s28, $0x1;
	[dreg:$0x2] =	wrdreg s3  }
0x21: {  	[dreg:$0x3] =	wrdreg s5  }
0x22: {  	[dreg:$0x4] =	wrdreg $0xC0  }
0x23: {  	_ =	task [dreg:s7], $0x5FFFF  }
0x24: {  	[dreg:$0x1] =	wrdreg $0xFFFFFFFF  }
0x25: {  	[dreg:$0x0] =	wrdreg $0x60  }
0x26: {  	[dreg:$0x2] =	wrdreg s25  }
0x27: {  	[dreg:$0x3] =	wrdreg s2  }
0x28: {  	[dreg:$0x4] =	wrdreg $0x9  }
0x29: {  	_ =	task.clear_ibuf [dreg:s7], $0x5FFFF;
	_ =	strace $0x90000049  }
0x2a: {  	s29 =	simm.s32 $0x9;
	_ =	strace $0x8000004B  }
0x2b: {  	_ =	swait.ge [sflag:s29], $0x1  }
0x2c: {  	[sflag:s29] =	ssyncadd.s32 $0xFFFFFFFF  }
0x2d: {  	_ =	strace $0x9000004B  }
0x2e: {  	_ =	sfence  }
0x2f: {  	s30 =	sld [smem:$0x0];
	_ =	sdelay $0x2  }
0x30: {  	s31 =	sshll.u32 s1, $0xD;
	s1 =	sshrl.u32 s1, $0x2  }
0x31: {  	s3 =	sand.u32 $0x4000, s31;
	s1 =	sadd.s32 s1, s30  }
0x32: {  	s0 =	sor.u32 s3, s0;
	s1 =	sshll.u32 s1, $0x11  }
0x33: {  	s0 =	sor.u32 s1, s0  }
0x34: {  	s0 =	sadd.s32 $0x8F2B, s0  }
0x35: {  	[sflag:s0] =	ssyncadd.remote.s32 $0x1  }
0x36: {  	_ =	sfence.sel $0xFFFF  }
0x37: {  	[dreg:$0x0] =	wrdreg $0xFFFFFFFF;
	(pc) =	sbr.abs _section_cstart, $3  }
0x38: {  	[dreg:$0x1] =	wrdreg $0xFFFFFFFF  }
0x39: {  	_ =	task.clear_ibuf [dreg:s7], $0x2FFFF;
	_ =	strace $0x9FFFFFFF  }
0x3a: {  	(tm) =	ssettm $0x7FFFFFFF  }
0x3b: {  	_ =	shalt  }
tec
execute0_lowered:
.L_overlay_start_1:
0x0: {  	(tag) =	ssettag $0x1  }
0x1: {  	s0 =	srdreg.scid  }
0x2: {  	s1 =	sshll.u32 s0, $0x4  }
0x3: {  	s6 =	rddreg [dreg:$0x0];
	s0 =	stileid.u32;
	s1 =	sand.u32 $0x10, s1  }
0x4: {  	s3 =	rddreg [dreg:$0x1];
	s1 =	sor.u32 s0, s1  }
0x5: {  	s7 =	simm.s32 $0x1;
	s8 =	simm.s32 $0x2;
	s2 =	sshll.u32 s1, $0x3  }
0x6: {  	s11 =	simm.s32 $0x0;
	s10 =	simm.s32 $0x0;
	s5 =	ssub.s32 $0x8000, s2  }
.Ltmp0:
0x7: {  	s6 =	sadd.s32 $0x10800, s6;
	s4 =	sand.u32 $0xF8, s5;
	(pc) =	sbr.rel .LBB1_1-.Ltmp0, $4  }
0x8: {  	s1 =	rddreg [dreg:$0x2];
	_ =	strace $0x8000004A;
	p0 =	sne.s32 s4, $0x0  }
0x9: {  	s5 =	sshrl.u32 s5, $0x8;
	s4 =	simm.s32 $0x1;
	s7 =	simm.s32 @!p0 $0x0  }
0xa: {  	s9 =	smov.u32 s2;
	[sflag:s4] =	ssyncpa.u1 $0x0;
	s5 =	sadd.s32 s7, s5  }
0xb: {  	[sflag:s8] =	ssyncpa.u1 $0x0;
	s8 =	simm.s32 $0x0;
	s7 =	sadd.s32 $0x1, s5  }
.LBB1_9:
0xc: {  	s13 =	sadd.s32 $0x100, s9  }
0xd: {  	p1 =	sgt.s32 s13, $0x7FFF  }
0xe: {  	s13 =	smov.u32 @p1 s2;
	p1 =	sne.s32 s10, s7  }
.Ltmp1:
0xf: {  	p0 =	slt.u32 s10, $0x2;
	(pc) =	sbr.rel @!p1 .LBB1_10-.Ltmp1, $4  }
0x10: {  	s12 =	simm.s32 @!p0 $0x2  }
0x11: {  	_ =	swait.ge @!p0 [sflag:s12], $0x4000  }
0x12: {  	s14 =	sadd.s32 $0x1, s10;
	s11 =	smov.u32 s9;
	[sflag:s12] =	ssyncset.done @!p0 $0x0  }
0x13: {  	s10 =	smov.u32 s14;
	s9 =	smov.u32 s13;
	[sflag:s12] =	ssyncadd.s32 @!p0 $0xFFFFC000  }
.LBB1_1:
0x14: {  	p0 =	sge.u32 s10, s5  }
0x15: {  	s12 =	sxor.u32 @!p0 $0xFFFFFFFF, s10  }
0x16: {  	s31 =	sadd.s32 $0xFFFFFFFF, s10;
	s13 =	sshll.u32 @!p0 s9, $0x8;
	s12 =	sshll.u32 @!p0 s12, $0xE  }
0x17: {  	s14 =	simm.s32 @!p0 $0x0;
	s13 =	sadd.s32 @!p0 s6, s13;
	s12 =	sand.u32 @!p0 $0x4000, s12  }
0x18: {  	[tilespmem:s12], [sflag:$0x1] =	stream.linear.gather @!p0 [hbm4b:s13+s14], $0x4000, $0x38;
	[tilespmem:$0x10000] =	vst v63  }
0x19: {  	p0 =	sge.u32 s31, s5  }
.Ltmp2:
0x1a: {  	_ = 	snop;
	(pc) =	sbr.rel @p0 .LBB1_9-.Ltmp2, $1  }
0x1b: {  	_ =	sdelay $0x3  }
0x1c: {  	_ =	swait.ge [sflag:s4], $0x4000;
	s12 =	sshll.u32 s10, $0xE  }
0x1d: {  	[sflag:s4] =	ssyncset.done $0x0;
	s13 =	sand.u32 $0x4000, s12  }
0x1e: {  	s14 =	simm.s32 $0x0;
	[sflag:s4] =	ssyncadd.s32 $0xFFFFC000;
	s12 =	sor.u32 $0x8000, s13  }
.LBB1_3:
0x1f: {  	s16 =	sshll.u32 s14, $0xB  }
0x20: {  	s17 =	simm.s32 $0x0;
	s15 =	sadd.s32 s16, s13;
	s16 =	sadd.s32 s16, s12  }
.LBB1_4:
0x21: {  	s18 =	sshll.u32 s17, $0x8  }
0x22: {  	s18 =	sand.u32 $0x3FFFFF00, s18  }
0x23: {  	s19 =	sshll.u32 s17, $0x7;
	s20 =	sadd.s32 s18, s15  }
0x24: {  	s19 =	sand.u32 $0x3FFFFF80, s19;
	v0 =	vmov s20  }
0x25: {  	s19 =	sadd.s32 s19, s16  }
0x26: {  	p0 =	por $0x1, $0x1;
	s18 =	simm.s32 $0x0;
	v1 =	vmov s19  }
.LBB1_5:
0x27: {  	s19 =	sshll.u32 s18, $0x7  }
0x28: {  	s19 =	sand.u32 $0x3FFFFF80, s19  }
0x29: {  	v2 =	vld.idx.msk [tilespmem:v0+s19+$0x0 ss:$0x1], $0xffff  }
0x2a: {  	v3 =	vld.idx.msk [tilespmem:v0+s19+$0x10 ss:$0x1], $0xffff  }
0x2b: {  	v4 =	vld.idx.msk [tilespmem:v0+s19+$0x20 ss:$0x1], $0xffff  }
0x2c: {  	s31 =	sshll.u32 s18, $0xA;
	v5 =	vld.idx.msk [tilespmem:v0+s19+$0x30 ss:$0x1], $0xffff  }
0x2d: {  	s18 =	sand.u32 $0x3FFFFC00, s31;
	v6 =	vld.idx.msk [tilespmem:v0+s19+$0x40 ss:$0x1], $0xffff  }
0x2e: {  	v63 =	vld.idx.msk [tilespmem:v0+s19+$0x70 ss:$0x1], $0xffff;
	[tilespmem:v1+s18+$0x0 ss:$0x1] =	vst.idx.msk $0xffff, v2  }
0x2f: {  	v2 =	vld.idx.msk [tilespmem:v0+s19+$0x50 ss:$0x1], $0xffff;
	[tilespmem:v1+s18+$0x10 ss:$0x1] =	vst.idx.msk $0xffff, v3  }
0x30: {  	p1 =	por p0, p0;
	v3 =	vld.idx.msk [tilespmem:v0+s19+$0x60 ss:$0x1], $0xffff;
	[tilespmem:v1+s18+$0x20 ss:$0x1] =	vst.idx.msk $0xffff, v4  }
.Ltmp3:
0x31: {  	[tilespmem:v1+s18+$0x30 ss:$0x1] =	vst.idx.msk $0xffff, v5;
	(pc) =	sbr.rel @p1 .LBB1_5-.Ltmp3, $4  }
0x32: {  	[tilespmem:v1+s18+$0x40 ss:$0x1] =	vst.idx.msk $0xffff, v6  }
0x33: {  	[tilespmem:v1+s18+$0x70 ss:$0x1] =	vst.idx.msk $0xffff, v63  }
0x34: {  	[tilespmem:v1+s18+$0x50 ss:$0x1] =	vst.idx.msk $0xffff, v2  }
0x35: {  	p0 =	por $0x0, $0x0;
	[tilespmem:v1+s18+$0x60 ss:$0x1] =	vst.idx.msk $0xffff, v3;
	s18 =	simm.s32 $0x1  }
0x36: {  	s17 =	sadd.s32 $0x1, s17  }
0x37: {  	p0 =	sne.s32 s17, $0x8  }
.Ltmp4:
0x38: {  	_ = 	snop;
	(pc) =	sbr.rel @p0 .LBB1_4-.Ltmp4, $1  }
0x39: {  	_ =	sdelay $0x3  }
0x3a: {  	s14 =	sadd.s32 $0x1, s14  }
0x3b: {  	p0 =	sne.s32 s14, $0x8  }
.Ltmp5:
0x3c: {  	_ = 	snop;
	(pc) =	sbr.rel @p0 .LBB1_3-.Ltmp5, $1  }
0x3d: {  	_ =	sdelay $0x3  }
.Ltmp6:
0x3e: {  	(pc) =	sbr.rel .LBB1_9-.Ltmp6, $4  }
0x3f: {  	_ = 	snop  }
0x40: {  	s11 =	sshll.u32 s11, $0x8  }
0x41: {  	s11 =	sadd.s32 s3, s11  }
0x42: {  	[hbm4b:s11+s8] =	stream.linear.scatter [tilespmem:s12], [sflag:$0x2], $0x4000, $0x38;
	[tilespmem:$0x10000] =	vst v63  }
.LBB1_10:
0x43: {  	_ =	sfence.sel $0x180000  }
0x44: {  	s2 =	simm.s32 $0x1;
	[bflag:$0x0] =	sbarrier.arrive $0xFFFF  }
0x45: {  	s31 =	simm.s32 $0x2;
	[sflag:s2] =	ssyncpa.u1 $0x1  }
0x46: {  	[sflag:s31] =	ssyncpa.u1 $0x1  }
0x47: {  	p0 =	sne.s32 s0, $0x0;
	_ =	strace $0x9000004A  }
0x48: {  	s0 =	sadd.s32 @!p0 $0x100000, s1;
	[bflag:$0x2] =	sbarrier.arrive $0xFFFF  }
0x49: {  	[sflag:s0] =	ssyncadd.tile.s32 @!p0 $0x1;
	_ =	shalt  }
.Lfunc_end1:
_tile_overlayer_lowered:
.L_overlay_start_2:
0x4a: {  	(tag) =	ssettag $0x2  }
0x4b: {  	s0 =	rddreg [dreg:$0x0];
	s2 =	stileid.u32  }
0x4c: {  	s1 =	rddreg [dreg:$0x1];
	p0 =	sne.s32 s2, $0x0  }
0x4d: {  	s3 =	rddreg [dreg:$0x2];
	[bflag:$0x3] =	sbarrier.arrive $0xFFFF;
	s2 =	simm.s32 @!p0 $0x1C01  }
0x4e: {  	[timem:s3], [sflag:s2] =	dma.local @!p0 [hbm:s0], s1  }
0x4f: {  	s0 =	simm.s32 @!p0 $0x1  }
0x50: {  	_ =	swait.ge @!p0 [sflag:s0], s1  }
0x51: {  	s1 =	ssub.s32 @!p0 $0x0, s1;
	[sflag:s0] =	ssyncset.done @!p0 $0x0  }
0x52: {  	[sflag:s0] =	ssyncadd.s32 @!p0 s1  }
0x53: {  	[bflag:$0x3] =	sbarrier.arrive $0xFFFF  }
0x54: {  	_ =	shalt  }

</sc_bundles>
